<compile_context>
chip_gen: v7x
topology: tpu7x:2x2x1
jax: 0.10.2.dev20260603
libtpu: 0.0.44.dev20260713+nightly
codegen_flags: <defaults>
</compile_context>

<pallas_src>
import jax
import jax.numpy as jnp
from jax import lax
from jax.experimental import pallas as pl
from jax.experimental.pallas import tpu as pltpu
from jax.experimental.pallas import tpu_sc as plsc

D_MODEL = 64
BATCH = 16384
TABLE_ROWS = 100000
BIAS = 1.0

NUM_CORES = 2
NUM_SUBCORES = 16
LANES = 16
NUM_WORKERS = NUM_CORES * NUM_SUBCORES
ROWS_PER_W = D_MODEL // NUM_WORKERS
CHUNK = 4096
N_CHUNKS = BATCH // CHUNK


def _emb_body(actions_hbm, table_t_hbm, out_t_hbm, idx_v, row_v, out_v,
              isem, rsem, wsem0, wsem1):
    wid = lax.axis_index("s") * NUM_CORES + lax.axis_index("c")
    wsems = (wsem0, wsem1)

    idx_cp = pltpu.async_copy(actions_hbm, idx_v, isem)
    row_cp = pltpu.async_copy(table_t_hbm.at[wid * ROWS_PER_W], row_v, rsem)
    idx_cp.wait()
    row_cp.wait()

    pending = [None, None]
    for k in range(ROWS_PER_W):
        d = wid * ROWS_PER_W + k
        if k > 0:
            pltpu.sync_copy(table_t_hbm.at[d], row_v)
        for c in range(N_CHUNKS):
            b = c % 2
            if pending[b] is not None:
                pending[b].wait()

            @plsc.parallel_loop(0, CHUNK // LANES, unroll=8)
            def grp(g, _c=c, _b=b):
                iv = idx_v[pl.ds(_c * CHUNK + g * LANES, LANES)]
                vals = plsc.load_gather(row_v, [iv])
                out_v[_b, pl.ds(g * LANES, LANES)] = vals + BIAS

            pending[b] = pltpu.async_copy(
                out_v.at[b], out_t_hbm.at[d, pl.ds(c * CHUNK, CHUNK)], wsems[b])
    for p in pending:
        if p is not None:
            p.wait()


def kernel(actions, table):
    k = pl.kernel(
        _emb_body,
        out_type=jax.ShapeDtypeStruct((D_MODEL, BATCH), jnp.float32),
        mesh=plsc.VectorSubcoreMesh(core_axis_name="c", subcore_axis_name="s"),
        scratch_types=[
            pltpu.VMEM((BATCH,), jnp.int32),
            pltpu.VMEM((TABLE_ROWS,), jnp.float32),
            pltpu.VMEM((2, CHUNK), jnp.float32),
            pltpu.SemaphoreType.DMA,
            pltpu.SemaphoreType.DMA,
            pltpu.SemaphoreType.DMA,
            pltpu.SemaphoreType.DMA,
        ],
        compiler_params=pltpu.CompilerParams(
            use_tc_tiling_on_sc=True,
            needs_layout_passes=False,
        ),
    )
    out_t = k(actions.astype(jnp.int32), table.T)
    return out_t.T

# --- scband reference (transcript-rebuilt; emitter-appended) ---
"""Pipeline reference for scband-discrete-action-embedder-62929860821542 (READ-ONLY COPY).

The authoritative reference and input builder live on the scoring server;
editing this copy changes nothing except your own understanding.
"""

import jax, jax.numpy as jnp
import numpy as np

NUM_ACTIONS = 100000
D_MODEL = 64
BATCH = 16384
ACTION_TOKEN_TYPE = 1.0


def setup_inputs(seed: int = 0) -> dict:
    key = jax.random.key(seed)
    k1, k2 = jax.random.split(key)
    actions = jax.random.randint(k1, (BATCH,), 0, NUM_ACTIONS, dtype=jnp.int64 if jax.config.jax_enable_x64 else jnp.int32)
    table = jax.random.normal(k2, (NUM_ACTIONS, D_MODEL), dtype=jnp.float32)
    return {"actions": actions, "table": table}


def reference(actions, table):
    # Faithful translation of DiscreteActionEmbedder.forward:
    #   self.embedding(actions) + self.action_token_type
    emb = jnp.take(table, actions, axis=0)  # (B, d_model) gather / embedding lookup
    return emb + ACTION_TOKEN_TYPE

if __name__ == "__main__":
    import jax
    _d = setup_inputs()
    print(jax.jit(kernel)(*tuple(_d.values())))

</pallas_src>

<mosaic_0001>
#map = affine_map<(d0, d1) -> (0)>
#map1 = affine_map<(d0, d1) -> (0, 0)>
module attributes {stable_mosaic.version = 14 : i64} {
  func.func @_emb_body(%arg0: i32, %arg1: i32, %arg2: memref<16384xi32, #tpu.memory_space<hbm>>, %arg3: memref<64x100000xf32, #tpu.memory_space<hbm>>, %arg4: memref<64x16384xf32, #tpu.memory_space<hbm>>, %arg5: memref<16384xi32, #tpu.memory_space<vmem>>, %arg6: memref<100000xf32, #tpu.memory_space<vmem>>, %arg7: memref<2x4096xf32, #tpu.memory_space<vmem>>, %arg8: memref<!tpu.dma_semaphore, #tpu.memory_space<semaphore_mem>>, %arg9: memref<!tpu.dma_semaphore, #tpu.memory_space<semaphore_mem>>, %arg10: memref<!tpu.dma_semaphore, #tpu.memory_space<semaphore_mem>>, %arg11: memref<!tpu.dma_semaphore, #tpu.memory_space<semaphore_mem>>) attributes {dimension_semantics = [#tpu.dimension_semantics<core_parallel>, #tpu.dimension_semantics<subcore_parallel>], iteration_bounds = array<i64: 2, 16>, scalar_prefetch = 0 : i64, scratch_operands = 7 : i64, tpu.core_type = #tpu.core_type<sc_vector_subcore>, window_params = [{transform_indices = #map}, {transform_indices = #map1}, {transform_indices = #map1}]} {
    %mul3A = arith.constant 2 : i32
    %mul3A_0 = arith.muli %arg1, %mul3A : i32
    %add3A = arith.addi %mul3A_0, %arg0 : i32
    tpu.enqueue_dma source(%arg2 : memref<16384xi32, #tpu.memory_space<hbm>>) target(%arg5 : memref<16384xi32, #tpu.memory_space<vmem>>) target_semaphore(%arg8 : memref<!tpu.dma_semaphore, #tpu.memory_space<semaphore_mem>>)
    %mul3A_1 = arith.constant 2 : i32
    %mul3A_2 = arith.muli %add3A, %mul3A_1 : i32
    %dma_start3A = arith.constant 0 : i32
    %dma_start3A_3 = tpu.memref_slice %arg3[%mul3A_2, %dma_start3A] : memref<64x100000xf32, #tpu.memory_space<hbm>> -> memref<1x100000xf32, #tpu.memory_space<hbm>>
    %dma_start3A_4 = tpu.memref_squeeze %dma_start3A_3 : memref<1x100000xf32, #tpu.memory_space<hbm>> -> memref<100000xf32, #tpu.memory_space<hbm>>
    %dma_start3A_5 = arith.constant 0 : i32
    %dma_start3A_6 = tpu.memref_slice %arg3[%mul3A_2, %dma_start3A_5] : memref<64x100000xf32, #tpu.memory_space<hbm>> -> memref<1x100000xf32, #tpu.memory_space<hbm>>
    %dma_start3A_7 = tpu.memref_squeeze %dma_start3A_6 : memref<1x100000xf32, #tpu.memory_space<hbm>> -> memref<100000xf32, #tpu.memory_space<hbm>>
    tpu.enqueue_dma source(%dma_start3A_7 : memref<100000xf32, #tpu.memory_space<hbm>>) target(%arg6 : memref<100000xf32, #tpu.memory_space<vmem>>) target_semaphore(%arg9 : memref<!tpu.dma_semaphore, #tpu.memory_space<semaphore_mem>>)
    tpu.wait_dma2 semaphore(%arg8 : memref<!tpu.dma_semaphore, #tpu.memory_space<semaphore_mem>>) src(%arg2 : memref<16384xi32, #tpu.memory_space<hbm>>) dst(%arg5 : memref<16384xi32, #tpu.memory_space<vmem>>)
    %dma_wait3A = arith.constant 0 : i32
    %dma_wait3A_8 = tpu.memref_slice %arg3[%mul3A_2, %dma_wait3A] : memref<64x100000xf32, #tpu.memory_space<hbm>> -> memref<1x100000xf32, #tpu.memory_space<hbm>>
    %dma_wait3A_9 = tpu.memref_squeeze %dma_wait3A_8 : memref<1x100000xf32, #tpu.memory_space<hbm>> -> memref<100000xf32, #tpu.memory_space<hbm>>
    %dma_wait3A_10 = arith.constant 0 : i32
    %dma_wait3A_11 = tpu.memref_slice %arg3[%mul3A_2, %dma_wait3A_10] : memref<64x100000xf32, #tpu.memory_space<hbm>> -> memref<1x100000xf32, #tpu.memory_space<hbm>>
    %dma_wait3A_12 = tpu.memref_squeeze %dma_wait3A_11 : memref<1x100000xf32, #tpu.memory_space<hbm>> -> memref<100000xf32, #tpu.memory_space<hbm>>
    tpu.wait_dma2 semaphore(%arg9 : memref<!tpu.dma_semaphore, #tpu.memory_space<semaphore_mem>>) src(%dma_wait3A_12 : memref<100000xf32, #tpu.memory_space<hbm>>) dst(%arg6 : memref<100000xf32, #tpu.memory_space<vmem>>)
    %mul3A_13 = arith.constant 2 : i32
    %mul3A_14 = arith.muli %add3A, %mul3A_13 : i32
    %add3A_15 = arith.constant 0 : i32
    %add3A_16 = arith.addi %mul3A_14, %add3A_15 : i32
    %parallel_loop3A = arith.constant 0 : i32
    %parallel_loop3A_17 = arith.constant 256 : i32
    %parallel_loop3A_18 = arith.constant 1 : i32
    scf.for %parallel_loop3A_252 = %parallel_loop3A to %parallel_loop3A_17 step %parallel_loop3A_18  : i32 {
      %parallel_loop3A_253 = arith.constant 16 : i32
      %parallel_loop3A_254 = arith.muli %parallel_loop3A_252, %parallel_loop3A_253 : i32
      %parallel_loop3A_255 = arith.constant 0 : i32
      %parallel_loop3A_256 = arith.addi %parallel_loop3A_255, %parallel_loop3A_254 : i32
      %parallel_loop3A_257 = arith.index_cast %parallel_loop3A_256 : i32 to index
      %parallel_loop3A_258 = tpu.vector_load %arg5[%parallel_loop3A_257] {strides = array<i32>} : memref<16384xi32, #tpu.memory_space<vmem>>, vector<16xi32>,
      %parallel_loop3A_259 = tpu.vector_load_idx %arg6[%parallel_loop3A_258] : memref<100000xf32, #tpu.memory_space<vmem>>[vector<16xi32>], vector<16xf32>,
      %parallel_loop3A_260 = arith.constant 1.000000e+00 : f32
      %parallel_loop3A_261 = vector.broadcast %parallel_loop3A_260 : f32 to vector<16xf32>
      %parallel_loop3A_262 = arith.addf %parallel_loop3A_259, %parallel_loop3A_261 : vector<16xf32>
      %parallel_loop3A_263 = arith.constant 16 : i32
      %parallel_loop3A_264 = arith.muli %parallel_loop3A_252, %parallel_loop3A_263 : i32
      %parallel_loop3A_265 = arith.constant 0 : i32
      %parallel_loop3A_266 = arith.index_cast %parallel_loop3A_265 : i32 to index
      %parallel_loop3A_267 = arith.index_cast %parallel_loop3A_264 : i32 to index
      %parallel_loop3A_268 = tpu.vector_load %arg7[%parallel_loop3A_266, %parallel_loop3A_267] {strides = array<i32>} : memref<2x4096xf32, #tpu.memory_space<vmem>>, vector<16xf32>,
      tpu.vector_store %arg7[%parallel_loop3A_266, %parallel_loop3A_267], %parallel_loop3A_262 {strides = array<i32>} : memref<2x4096xf32, #tpu.memory_space<vmem>>, vector<16xf32>,
    } {sc.loop_unroll_factor = 8 : i64, sc.parallel_access}
    %dma_start3A_19 = arith.constant 0 : i32
    %dma_start3A_20 = arith.constant 0 : i32
    %dma_start3A_21 = tpu.memref_slice %arg7[%dma_start3A_19, %dma_start3A_20] : memref<2x4096xf32, #tpu.memory_space<vmem>> -> memref<1x4096xf32, #tpu.memory_space<vmem>>
    %dma_start3A_22 = tpu.memref_squeeze %dma_start3A_21 : memref<1x4096xf32, #tpu.memory_space<vmem>> -> memref<4096xf32, #tpu.memory_space<vmem>>
    %dma_start3A_23 = arith.constant 0 : i32
    %dma_start3A_24 = tpu.memref_slice %arg4[%add3A_16, %dma_start3A_23] : memref<64x16384xf32, #tpu.memory_space<hbm>> -> memref<1x4096xf32, #tpu.memory_space<hbm>>
    %dma_start3A_25 = tpu.memref_squeeze %dma_start3A_24 : memref<1x4096xf32, #tpu.memory_space<hbm>> -> memref<4096xf32, #tpu.memory_space<hbm>>
    %dma_start3A_26 = arith.constant 0 : i32
    %dma_start3A_27 = tpu.memref_slice %arg4[%add3A_16, %dma_start3A_26] : memref<64x16384xf32, #tpu.memory_space<hbm>> -> memref<1x4096xf32, #tpu.memory_space<hbm>>
    %dma_start3A_28 = tpu.memref_squeeze %dma_start3A_27 : memref<1x4096xf32, #tpu.memory_space<hbm>> -> memref<4096xf32, #tpu.memory_space<hbm>>
    %dma_start3A_29 = arith.constant 0 : i32
    %dma_start3A_30 = tpu.memref_slice %arg7[%dma_start3A_19, %dma_start3A_29] : memref<2x4096xf32, #tpu.memory_space<vmem>> -> memref<1x4096xf32, #tpu.memory_space<vmem>>
    %dma_start3A_31 = tpu.memref_squeeze %dma_start3A_30 : memref<1x4096xf32, #tpu.memory_space<vmem>> -> memref<4096xf32, #tpu.memory_space<vmem>>
    tpu.enqueue_dma source(%dma_start3A_31 : memref<4096xf32, #tpu.memory_space<vmem>>) target(%dma_start3A_28 : memref<4096xf32, #tpu.memory_space<hbm>>) target_semaphore(%arg10 : memref<!tpu.dma_semaphore, #tpu.memory_space<semaphore_mem>>)
    %parallel_loop3A_32 = arith.constant 0 : i32
    %parallel_loop3A_33 = arith.constant 256 : i32
    %parallel_loop3A_34 = arith.constant 1 : i32
    scf.for %parallel_loop3A_252 = %parallel_loop3A_32 to %parallel_loop3A_33 step %parallel_loop3A_34  : i32 {
      %parallel_loop3A_253 = arith.constant 16 : i32
      %parallel_loop3A_254 = arith.muli %parallel_loop3A_252, %parallel_loop3A_253 : i32
      %parallel_loop3A_255 = arith.constant 4096 : i32
      %parallel_loop3A_256 = arith.addi %parallel_loop3A_255, %parallel_loop3A_254 : i32
      %parallel_loop3A_257 = arith.index_cast %parallel_loop3A_256 : i32 to index
      %parallel_loop3A_258 = tpu.vector_load %arg5[%parallel_loop3A_257] {strides = array<i32>} : memref<16384xi32, #tpu.memory_space<vmem>>, vector<16xi32>,
      %parallel_loop3A_259 = tpu.vector_load_idx %arg6[%parallel_loop3A_258] : memref<100000xf32, #tpu.memory_space<vmem>>[vector<16xi32>], vector<16xf32>,
      %parallel_loop3A_260 = arith.constant 1.000000e+00 : f32
      %parallel_loop3A_261 = vector.broadcast %parallel_loop3A_260 : f32 to vector<16xf32>
      %parallel_loop3A_262 = arith.addf %parallel_loop3A_259, %parallel_loop3A_261 : vector<16xf32>
      %parallel_loop3A_263 = arith.constant 16 : i32
      %parallel_loop3A_264 = arith.muli %parallel_loop3A_252, %parallel_loop3A_263 : i32
      %parallel_loop3A_265 = arith.constant 1 : i32
      %parallel_loop3A_266 = arith.index_cast %parallel_loop3A_265 : i32 to index
      %parallel_loop3A_267 = arith.index_cast %parallel_loop3A_264 : i32 to index
      %parallel_loop3A_268 = tpu.vector_load %arg7[%parallel_loop3A_266, %parallel_loop3A_267] {strides = array<i32>} : memref<2x4096xf32, #tpu.memory_space<vmem>>, vector<16xf32>,
      tpu.vector_store %arg7[%parallel_loop3A_266, %parallel_loop3A_267], %parallel_loop3A_262 {strides = array<i32>} : memref<2x4096xf32, #tpu.memory_space<vmem>>, vector<16xf32>,
    } {sc.loop_unroll_factor = 8 : i64, sc.parallel_access}
    %dma_start3A_35 = arith.constant 1 : i32
    %dma_start3A_36 = arith.constant 0 : i32
    %dma_start3A_37 = tpu.memref_slice %arg7[%dma_start3A_35, %dma_start3A_36] : memref<2x4096xf32, #tpu.memory_space<vmem>> -> memref<1x4096xf32, #tpu.memory_space<vmem>>
    %dma_start3A_38 = tpu.memref_squeeze %dma_start3A_37 : memref<1x4096xf32, #tpu.memory_space<vmem>> -> memref<4096xf32, #tpu.memory_space<vmem>>
    %dma_start3A_39 = arith.constant 4096 : i32
    %dma_start3A_40 = tpu.memref_slice %arg4[%add3A_16, %dma_start3A_39] : memref<64x16384xf32, #tpu.memory_space<hbm>> -> memref<1x4096xf32, #tpu.memory_space<hbm>>
    %dma_start3A_41 = tpu.memref_squeeze %dma_start3A_40 : memref<1x4096xf32, #tpu.memory_space<hbm>> -> memref<4096xf32, #tpu.memory_space<hbm>>
    %dma_start3A_42 = arith.constant 4096 : i32
    %dma_start3A_43 = tpu.memref_slice %arg4[%add3A_16, %dma_start3A_42] : memref<64x16384xf32, #tpu.memory_space<hbm>> -> memref<1x4096xf32, #tpu.memory_space<hbm>>
    %dma_start3A_44 = tpu.memref_squeeze %dma_start3A_43 : memref<1x4096xf32, #tpu.memory_space<hbm>> -> memref<4096xf32, #tpu.memory_space<hbm>>
    %dma_start3A_45 = arith.constant 0 : i32
    %dma_start3A_46 = tpu.memref_slice %arg7[%dma_start3A_35, %dma_start3A_45] : memref<2x4096xf32, #tpu.memory_space<vmem>> -> memref<1x4096xf32, #tpu.memory_space<vmem>>
    %dma_start3A_47 = tpu.memref_squeeze %dma_start3A_46 : memref<1x4096xf32, #tpu.memory_space<vmem>> -> memref<4096xf32, #tpu.memory_space<vmem>>
    tpu.enqueue_dma source(%dma_start3A_47 : memref<4096xf32, #tpu.memory_space<vmem>>) target(%dma_start3A_44 : memref<4096xf32, #tpu.memory_space<hbm>>) target_semaphore(%arg11 : memref<!tpu.dma_semaphore, #tpu.memory_space<semaphore_mem>>)
    %dma_wait3A_48 = arith.constant 0 : i32
    %dma_wait3A_49 = arith.constant 0 : i32
    %dma_wait3A_50 = tpu.memref_slice %arg7[%dma_wait3A_48, %dma_wait3A_49] : memref<2x4096xf32, #tpu.memory_space<vmem>> -> memref<1x4096xf32, #tpu.memory_space<vmem>>
    %dma_wait3A_51 = tpu.memref_squeeze %dma_wait3A_50 : memref<1x4096xf32, #tpu.memory_space<vmem>> -> memref<4096xf32, #tpu.memory_space<vmem>>
    %dma_wait3A_52 = arith.constant 0 : i32
    %dma_wait3A_53 = tpu.memref_slice %arg4[%add3A_16, %dma_wait3A_52] : memref<64x16384xf32, #tpu.memory_space<hbm>> -> memref<1x4096xf32, #tpu.memory_space<hbm>>
    %dma_wait3A_54 = tpu.memref_squeeze %dma_wait3A_53 : memref<1x4096xf32, #tpu.memory_space<hbm>> -> memref<4096xf32, #tpu.memory_space<hbm>>
    %dma_wait3A_55 = arith.constant 0 : i32
    %dma_wait3A_56 = tpu.memref_slice %arg4[%add3A_16, %dma_wait3A_55] : memref<64x16384xf32, #tpu.memory_space<hbm>> -> memref<1x4096xf32, #tpu.memory_space<hbm>>
    %dma_wait3A_57 = tpu.memref_squeeze %dma_wait3A_56 : memref<1x4096xf32, #tpu.memory_space<hbm>> -> memref<4096xf32, #tpu.memory_space<hbm>>
    %dma_wait3A_58 = arith.constant 0 : i32
    %dma_wait3A_59 = tpu.memref_slice %arg7[%dma_wait3A_48, %dma_wait3A_58] : memref<2x4096xf32, #tpu.memory_space<vmem>> -> memref<1x4096xf32, #tpu.memory_space<vmem>>
    %dma_wait3A_60 = tpu.memref_squeeze %dma_wait3A_59 : memref<1x4096xf32, #tpu.memory_space<vmem>> -> memref<4096xf32, #tpu.memory_space<vmem>>
    tpu.wait_dma2 semaphore(%arg10 : memref<!tpu.dma_semaphore, #tpu.memory_space<semaphore_mem>>) src(%dma_wait3A_60 : memref<4096xf32, #tpu.memory_space<vmem>>) dst(%dma_wait3A_57 : memref<4096xf32, #tpu.memory_space<hbm>>)
    %parallel_loop3A_61 = arith.constant 0 : i32
    %parallel_loop3A_62 = arith.constant 256 : i32
    %parallel_loop3A_63 = arith.constant 1 : i32
    scf.for %parallel_loop3A_252 = %parallel_loop3A_61 to %parallel_loop3A_62 step %parallel_loop3A_63  : i32 {
      %parallel_loop3A_253 = arith.constant 16 : i32
      %parallel_loop3A_254 = arith.muli %parallel_loop3A_252, %parallel_loop3A_253 : i32
      %parallel_loop3A_255 = arith.constant 8192 : i32
      %parallel_loop3A_256 = arith.addi %parallel_loop3A_255, %parallel_loop3A_254 : i32
      %parallel_loop3A_257 = arith.index_cast %parallel_loop3A_256 : i32 to index
      %parallel_loop3A_258 = tpu.vector_load %arg5[%parallel_loop3A_257] {strides = array<i32>} : memref<16384xi32, #tpu.memory_space<vmem>>, vector<16xi32>,
      %parallel_loop3A_259 = tpu.vector_load_idx %arg6[%parallel_loop3A_258] : memref<100000xf32, #tpu.memory_space<vmem>>[vector<16xi32>], vector<16xf32>,
      %parallel_loop3A_260 = arith.constant 1.000000e+00 : f32
      %parallel_loop3A_261 = vector.broadcast %parallel_loop3A_260 : f32 to vector<16xf32>
      %parallel_loop3A_262 = arith.addf %parallel_loop3A_259, %parallel_loop3A_261 : vector<16xf32>
      %parallel_loop3A_263 = arith.constant 16 : i32
      %parallel_loop3A_264 = arith.muli %parallel_loop3A_252, %parallel_loop3A_263 : i32
      %parallel_loop3A_265 = arith.constant 0 : i32
      %parallel_loop3A_266 = arith.index_cast %parallel_loop3A_265 : i32 to index
      %parallel_loop3A_267 = arith.index_cast %parallel_loop3A_264 : i32 to index
      %parallel_loop3A_268 = tpu.vector_load %arg7[%parallel_loop3A_266, %parallel_loop3A_267] {strides = array<i32>} : memref<2x4096xf32, #tpu.memory_space<vmem>>, vector<16xf32>,
      tpu.vector_store %arg7[%parallel_loop3A_266, %parallel_loop3A_267], %parallel_loop3A_262 {strides = array<i32>} : memref<2x4096xf32, #tpu.memory_space<vmem>>, vector<16xf32>,
    } {sc.loop_unroll_factor = 8 : i64, sc.parallel_access}
    %dma_start3A_64 = arith.constant 0 : i32
    %dma_start3A_65 = arith.constant 0 : i32
    %dma_start3A_66 = tpu.memref_slice %arg7[%dma_start3A_64, %dma_start3A_65] : memref<2x4096xf32, #tpu.memory_space<vmem>> -> memref<1x4096xf32, #tpu.memory_space<vmem>>
    %dma_start3A_67 = tpu.memref_squeeze %dma_start3A_66 : memref<1x4096xf32, #tpu.memory_space<vmem>> -> memref<4096xf32, #tpu.memory_space<vmem>>
    %dma_start3A_68 = arith.constant 8192 : i32
    %dma_start3A_69 = tpu.memref_slice %arg4[%add3A_16, %dma_start3A_68] : memref<64x16384xf32, #tpu.memory_space<hbm>> -> memref<1x4096xf32, #tpu.memory_space<hbm>>
    %dma_start3A_70 = tpu.memref_squeeze %dma_start3A_69 : memref<1x4096xf32, #tpu.memory_space<hbm>> -> memref<4096xf32, #tpu.memory_space<hbm>>
    %dma_start3A_71 = arith.constant 8192 : i32
    %dma_start3A_72 = tpu.memref_slice %arg4[%add3A_16, %dma_start3A_71] : memref<64x16384xf32, #tpu.memory_space<hbm>> -> memref<1x4096xf32, #tpu.memory_space<hbm>>
    %dma_start3A_73 = tpu.memref_squeeze %dma_start3A_72 : memref<1x4096xf32, #tpu.memory_space<hbm>> -> memref<4096xf32, #tpu.memory_space<hbm>>
    %dma_start3A_74 = arith.constant 0 : i32
    %dma_start3A_75 = tpu.memref_slice %arg7[%dma_start3A_64, %dma_start3A_74] : memref<2x4096xf32, #tpu.memory_space<vmem>> -> memref<1x4096xf32, #tpu.memory_space<vmem>>
    %dma_start3A_76 = tpu.memref_squeeze %dma_start3A_75 : memref<1x4096xf32, #tpu.memory_space<vmem>> -> memref<4096xf32, #tpu.memory_space<vmem>>
    tpu.enqueue_dma source(%dma_start3A_76 : memref<4096xf32, #tpu.memory_space<vmem>>) target(%dma_start3A_73 : memref<4096xf32, #tpu.memory_space<hbm>>) target_semaphore(%arg10 : memref<!tpu.dma_semaphore, #tpu.memory_space<semaphore_mem>>)
    %dma_wait3A_77 = arith.constant 1 : i32
    %dma_wait3A_78 = arith.constant 0 : i32
    %dma_wait3A_79 = tpu.memref_slice %arg7[%dma_wait3A_77, %dma_wait3A_78] : memref<2x4096xf32, #tpu.memory_space<vmem>> -> memref<1x4096xf32, #tpu.memory_space<vmem>>
    %dma_wait3A_80 = tpu.memref_squeeze %dma_wait3A_79 : memref<1x4096xf32, #tpu.memory_space<vmem>> -> memref<4096xf32, #tpu.memory_space<vmem>>
    %dma_wait3A_81 = arith.constant 4096 : i32
    %dma_wait3A_82 = tpu.memref_slice %arg4[%add3A_16, %dma_wait3A_81] : memref<64x16384xf32, #tpu.memory_space<hbm>> -> memref<1x4096xf32, #tpu.memory_space<hbm>>
    %dma_wait3A_83 = tpu.memref_squeeze %dma_wait3A_82 : memref<1x4096xf32, #tpu.memory_space<hbm>> -> memref<4096xf32, #tpu.memory_space<hbm>>
    %dma_wait3A_84 = arith.constant 4096 : i32
    %dma_wait3A_85 = tpu.memref_slice %arg4[%add3A_16, %dma_wait3A_84] : memref<64x16384xf32, #tpu.memory_space<hbm>> -> memref<1x4096xf32, #tpu.memory_space<hbm>>
    %dma_wait3A_86 = tpu.memref_squeeze %dma_wait3A_85 : memref<1x4096xf32, #tpu.memory_space<hbm>> -> memref<4096xf32, #tpu.memory_space<hbm>>
    %dma_wait3A_87 = arith.constant 0 : i32
    %dma_wait3A_88 = tpu.memref_slice %arg7[%dma_wait3A_77, %dma_wait3A_87] : memref<2x4096xf32, #tpu.memory_space<vmem>> -> memref<1x4096xf32, #tpu.memory_space<vmem>>
    %dma_wait3A_89 = tpu.memref_squeeze %dma_wait3A_88 : memref<1x4096xf32, #tpu.memory_space<vmem>> -> memref<4096xf32, #tpu.memory_space<vmem>>
    tpu.wait_dma2 semaphore(%arg11 : memref<!tpu.dma_semaphore, #tpu.memory_space<semaphore_mem>>) src(%dma_wait3A_89 : memref<4096xf32, #tpu.memory_space<vmem>>) dst(%dma_wait3A_86 : memref<4096xf32, #tpu.memory_space<hbm>>)
    %parallel_loop3A_90 = arith.constant 0 : i32
    %parallel_loop3A_91 = arith.constant 256 : i32
    %parallel_loop3A_92 = arith.constant 1 : i32
    scf.for %parallel_loop3A_252 = %parallel_loop3A_90 to %parallel_loop3A_91 step %parallel_loop3A_92  : i32 {
      %parallel_loop3A_253 = arith.constant 16 : i32
      %parallel_loop3A_254 = arith.muli %parallel_loop3A_252, %parallel_loop3A_253 : i32
      %parallel_loop3A_255 = arith.constant 12288 : i32
      %parallel_loop3A_256 = arith.addi %parallel_loop3A_255, %parallel_loop3A_254 : i32
      %parallel_loop3A_257 = arith.index_cast %parallel_loop3A_256 : i32 to index
      %parallel_loop3A_258 = tpu.vector_load %arg5[%parallel_loop3A_257] {strides = array<i32>} : memref<16384xi32, #tpu.memory_space<vmem>>, vector<16xi32>,
      %parallel_loop3A_259 = tpu.vector_load_idx %arg6[%parallel_loop3A_258] : memref<100000xf32, #tpu.memory_space<vmem>>[vector<16xi32>], vector<16xf32>,
      %parallel_loop3A_260 = arith.constant 1.000000e+00 : f32
      %parallel_loop3A_261 = vector.broadcast %parallel_loop3A_260 : f32 to vector<16xf32>
      %parallel_loop3A_262 = arith.addf %parallel_loop3A_259, %parallel_loop3A_261 : vector<16xf32>
      %parallel_loop3A_263 = arith.constant 16 : i32
      %parallel_loop3A_264 = arith.muli %parallel_loop3A_252, %parallel_loop3A_263 : i32
      %parallel_loop3A_265 = arith.constant 1 : i32
      %parallel_loop3A_266 = arith.index_cast %parallel_loop3A_265 : i32 to index
      %parallel_loop3A_267 = arith.index_cast %parallel_loop3A_264 : i32 to index
      %parallel_loop3A_268 = tpu.vector_load %arg7[%parallel_loop3A_266, %parallel_loop3A_267] {strides = array<i32>} : memref<2x4096xf32, #tpu.memory_space<vmem>>, vector<16xf32>,
      tpu.vector_store %arg7[%parallel_loop3A_266, %parallel_loop3A_267], %parallel_loop3A_262 {strides = array<i32>} : memref<2x4096xf32, #tpu.memory_space<vmem>>, vector<16xf32>,
    } {sc.loop_unroll_factor = 8 : i64, sc.parallel_access}
    %dma_start3A_93 = arith.constant 1 : i32
    %dma_start3A_94 = arith.constant 0 : i32
    %dma_start3A_95 = tpu.memref_slice %arg7[%dma_start3A_93, %dma_start3A_94] : memref<2x4096xf32, #tpu.memory_space<vmem>> -> memref<1x4096xf32, #tpu.memory_space<vmem>>
    %dma_start3A_96 = tpu.memref_squeeze %dma_start3A_95 : memref<1x4096xf32, #tpu.memory_space<vmem>> -> memref<4096xf32, #tpu.memory_space<vmem>>
    %dma_start3A_97 = arith.constant 12288 : i32
    %dma_start3A_98 = tpu.memref_slice %arg4[%add3A_16, %dma_start3A_97] : memref<64x16384xf32, #tpu.memory_space<hbm>> -> memref<1x4096xf32, #tpu.memory_space<hbm>>
    %dma_start3A_99 = tpu.memref_squeeze %dma_start3A_98 : memref<1x4096xf32, #tpu.memory_space<hbm>> -> memref<4096xf32, #tpu.memory_space<hbm>>
    %dma_start3A_100 = arith.constant 12288 : i32
    %dma_start3A_101 = tpu.memref_slice %arg4[%add3A_16, %dma_start3A_100] : memref<64x16384xf32, #tpu.memory_space<hbm>> -> memref<1x4096xf32, #tpu.memory_space<hbm>>
    %dma_start3A_102 = tpu.memref_squeeze %dma_start3A_101 : memref<1x4096xf32, #tpu.memory_space<hbm>> -> memref<4096xf32, #tpu.memory_space<hbm>>
    %dma_start3A_103 = arith.constant 0 : i32
    %dma_start3A_104 = tpu.memref_slice %arg7[%dma_start3A_93, %dma_start3A_103] : memref<2x4096xf32, #tpu.memory_space<vmem>> -> memref<1x4096xf32, #tpu.memory_space<vmem>>
    %dma_start3A_105 = tpu.memref_squeeze %dma_start3A_104 : memref<1x4096xf32, #tpu.memory_space<vmem>> -> memref<4096xf32, #tpu.memory_space<vmem>>
    tpu.enqueue_dma source(%dma_start3A_105 : memref<4096xf32, #tpu.memory_space<vmem>>) target(%dma_start3A_102 : memref<4096xf32, #tpu.memory_space<hbm>>) target_semaphore(%arg11 : memref<!tpu.dma_semaphore, #tpu.memory_space<semaphore_mem>>)
    %mul3A_106 = arith.constant 2 : i32
    %mul3A_107 = arith.muli %add3A, %mul3A_106 : i32
    %add3A_108 = arith.constant 1 : i32
    %add3A_109 = arith.addi %mul3A_107, %add3A_108 : i32
    "tpu.region"() ({
      %run_scoped3A = tpu.sem_alloc : memref<!tpu.dma_semaphore, #tpu.memory_space<semaphore_mem>>
      %dma_start3A_252 = arith.constant 0 : i32
      %dma_start3A_253 = tpu.memref_slice %arg3[%add3A_109, %dma_start3A_252] : memref<64x100000xf32, #tpu.memory_space<hbm>> -> memref<1x100000xf32, #tpu.memory_space<hbm>>
      %dma_start3A_254 = tpu.memref_squeeze %dma_start3A_253 : memref<1x100000xf32, #tpu.memory_space<hbm>> -> memref<100000xf32, #tpu.memory_space<hbm>>
      %dma_start3A_255 = arith.constant 0 : i32
      %dma_start3A_256 = tpu.memref_slice %arg3[%add3A_109, %dma_start3A_255] : memref<64x100000xf32, #tpu.memory_space<hbm>> -> memref<1x100000xf32, #tpu.memory_space<hbm>>
      %dma_start3A_257 = tpu.memref_squeeze %dma_start3A_256 : memref<1x100000xf32, #tpu.memory_space<hbm>> -> memref<100000xf32, #tpu.memory_space<hbm>>
      tpu.enqueue_dma source(%dma_start3A_257 : memref<100000xf32, #tpu.memory_space<hbm>>) target(%arg6 : memref<100000xf32, #tpu.memory_space<vmem>>) target_semaphore(%run_scoped3A : memref<!tpu.dma_semaphore, #tpu.memory_space<semaphore_mem>>)
      %dma_wait3A_258 = arith.constant 0 : i32
      %dma_wait3A_259 = tpu.memref_slice %arg3[%add3A_109, %dma_wait3A_258] : memref<64x100000xf32, #tpu.memory_space<hbm>> -> memref<1x100000xf32, #tpu.memory_space<hbm>>
      %dma_wait3A_260 = tpu.memref_squeeze %dma_wait3A_259 : memref<1x100000xf32, #tpu.memory_space<hbm>> -> memref<100000xf32, #tpu.memory_space<hbm>>
      %dma_wait3A_261 = arith.constant 0 : i32
      %dma_wait3A_262 = tpu.memref_slice %arg3[%add3A_109, %dma_wait3A_261] : memref<64x100000xf32, #tpu.memory_space<hbm>> -> memref<1x100000xf32, #tpu.memory_space<hbm>>
      %dma_wait3A_263 = tpu.memref_squeeze %dma_wait3A_262 : memref<1x100000xf32, #tpu.memory_space<hbm>> -> memref<100000xf32, #tpu.memory_space<hbm>>
      tpu.wait_dma2 semaphore(%run_scoped3A : memref<!tpu.dma_semaphore, #tpu.memory_space<semaphore_mem>>) src(%dma_wait3A_263 : memref<100000xf32, #tpu.memory_space<hbm>>) dst(%arg6 : memref<100000xf32, #tpu.memory_space<vmem>>)
      tpu.yield
    }) : () -> ()
    %dma_wait3A_110 = arith.constant 0 : i32
    %dma_wait3A_111 = arith.constant 0 : i32
    %dma_wait3A_112 = tpu.memref_slice %arg7[%dma_wait3A_110, %dma_wait3A_111] : memref<2x4096xf32, #tpu.memory_space<vmem>> -> memref<1x4096xf32, #tpu.memory_space<vmem>>
    %dma_wait3A_113 = tpu.memref_squeeze %dma_wait3A_112 : memref<1x4096xf32, #tpu.memory_space<vmem>> -> memref<4096xf32, #tpu.memory_space<vmem>>
    %dma_wait3A_114 = arith.constant 8192 : i32
    %dma_wait3A_115 = tpu.memref_slice %arg4[%add3A_16, %dma_wait3A_114] : memref<64x16384xf32, #tpu.memory_space<hbm>> -> memref<1x4096xf32, #tpu.memory_space<hbm>>
    %dma_wait3A_116 = tpu.memref_squeeze %dma_wait3A_115 : memref<1x4096xf32, #tpu.memory_space<hbm>> -> memref<4096xf32, #tpu.memory_space<hbm>>
    %dma_wait3A_117 = arith.constant 8192 : i32
    %dma_wait3A_118 = tpu.memref_slice %arg4[%add3A_16, %dma_wait3A_117] : memref<64x16384xf32, #tpu.memory_space<hbm>> -> memref<1x4096xf32, #tpu.memory_space<hbm>>
    %dma_wait3A_119 = tpu.memref_squeeze %dma_wait3A_118 : memref<1x4096xf32, #tpu.memory_space<hbm>> -> memref<4096xf32, #tpu.memory_space<hbm>>
    %dma_wait3A_120 = arith.constant 0 : i32
    %dma_wait3A_121 = tpu.memref_slice %arg7[%dma_wait3A_110, %dma_wait3A_120] : memref<2x4096xf32, #tpu.memory_space<vmem>> -> memref<1x4096xf32, #tpu.memory_space<vmem>>
    %dma_wait3A_122 = tpu.memref_squeeze %dma_wait3A_121 : memref<1x4096xf32, #tpu.memory_space<vmem>> -> memref<4096xf32, #tpu.memory_space<vmem>>
    tpu.wait_dma2 semaphore(%arg10 : memref<!tpu.dma_semaphore, #tpu.memory_space<semaphore_mem>>) src(%dma_wait3A_122 : memref<4096xf32, #tpu.memory_space<vmem>>) dst(%dma_wait3A_119 : memref<4096xf32, #tpu.memory_space<hbm>>)
    %parallel_loop3A_123 = arith.constant 0 : i32
    %parallel_loop3A_124 = arith.constant 256 : i32
    %parallel_loop3A_125 = arith.constant 1 : i32
    scf.for %parallel_loop3A_252 = %parallel_loop3A_123 to %parallel_loop3A_124 step %parallel_loop3A_125  : i32 {
      %parallel_loop3A_253 = arith.constant 16 : i32
      %parallel_loop3A_254 = arith.muli %parallel_loop3A_252, %parallel_loop3A_253 : i32
      %parallel_loop3A_255 = arith.constant 0 : i32
      %parallel_loop3A_256 = arith.addi %parallel_loop3A_255, %parallel_loop3A_254 : i32
      %parallel_loop3A_257 = arith.index_cast %parallel_loop3A_256 : i32 to index
      %parallel_loop3A_258 = tpu.vector_load %arg5[%parallel_loop3A_257] {strides = array<i32>} : memref<16384xi32, #tpu.memory_space<vmem>>, vector<16xi32>,
      %parallel_loop3A_259 = tpu.vector_load_idx %arg6[%parallel_loop3A_258] : memref<100000xf32, #tpu.memory_space<vmem>>[vector<16xi32>], vector<16xf32>,
      %parallel_loop3A_260 = arith.constant 1.000000e+00 : f32
      %parallel_loop3A_261 = vector.broadcast %parallel_loop3A_260 : f32 to vector<16xf32>
      %parallel_loop3A_262 = arith.addf %parallel_loop3A_259, %parallel_loop3A_261 : vector<16xf32>
      %parallel_loop3A_263 = arith.constant 16 : i32
      %parallel_loop3A_264 = arith.muli %parallel_loop3A_252, %parallel_loop3A_263 : i32
      %parallel_loop3A_265 = arith.constant 0 : i32
      %parallel_loop3A_266 = arith.index_cast %parallel_loop3A_265 : i32 to index
      %parallel_loop3A_267 = arith.index_cast %parallel_loop3A_264 : i32 to index
      %parallel_loop3A_268 = tpu.vector_load %arg7[%parallel_loop3A_266, %parallel_loop3A_267] {strides = array<i32>} : memref<2x4096xf32, #tpu.memory_space<vmem>>, vector<16xf32>,
      tpu.vector_store %arg7[%parallel_loop3A_266, %parallel_loop3A_267], %parallel_loop3A_262 {strides = array<i32>} : memref<2x4096xf32, #tpu.memory_space<vmem>>, vector<16xf32>,
    } {sc.loop_unroll_factor = 8 : i64, sc.parallel_access}
    %dma_start3A_126 = arith.constant 0 : i32
    %dma_start3A_127 = arith.constant 0 : i32
    %dma_start3A_128 = tpu.memref_slice %arg7[%dma_start3A_126, %dma_start3A_127] : memref<2x4096xf32, #tpu.memory_space<vmem>> -> memref<1x4096xf32, #tpu.memory_space<vmem>>
    %dma_start3A_129 = tpu.memref_squeeze %dma_start3A_128 : memref<1x4096xf32, #tpu.memory_space<vmem>> -> memref<4096xf32, #tpu.memory_space<vmem>>
    %dma_start3A_130 = arith.constant 0 : i32
    %dma_start3A_131 = tpu.memref_slice %arg4[%add3A_109, %dma_start3A_130] : memref<64x16384xf32, #tpu.memory_space<hbm>> -> memref<1x4096xf32, #tpu.memory_space<hbm>>
    %dma_start3A_132 = tpu.memref_squeeze %dma_start3A_131 : memref<1x4096xf32, #tpu.memory_space<hbm>> -> memref<4096xf32, #tpu.memory_space<hbm>>
    %dma_start3A_133 = arith.constant 0 : i32
    %dma_start3A_134 = tpu.memref_slice %arg4[%add3A_109, %dma_start3A_133] : memref<64x16384xf32, #tpu.memory_space<hbm>> -> memref<1x4096xf32, #tpu.memory_space<hbm>>
    %dma_start3A_135 = tpu.memref_squeeze %dma_start3A_134 : memref<1x4096xf32, #tpu.memory_space<hbm>> -> memref<4096xf32, #tpu.memory_space<hbm>>
    %dma_start3A_136 = arith.constant 0 : i32
    %dma_start3A_137 = tpu.memref_slice %arg7[%dma_start3A_126, %dma_start3A_136] : memref<2x4096xf32, #tpu.memory_space<vmem>> -> memref<1x4096xf32, #tpu.memory_space<vmem>>
    %dma_start3A_138 = tpu.memref_squeeze %dma_start3A_137 : memref<1x4096xf32, #tpu.memory_space<vmem>> -> memref<4096xf32, #tpu.memory_space<vmem>>
    tpu.enqueue_dma source(%dma_start3A_138 : memref<4096xf32, #tpu.memory_space<vmem>>) target(%dma_start3A_135 : memref<4096xf32, #tpu.memory_space<hbm>>) target_semaphore(%arg10 : memref<!tpu.dma_semaphore, #tpu.memory_space<semaphore_mem>>)
    %dma_wait3A_139 = arith.constant 1 : i32
    %dma_wait3A_140 = arith.constant 0 : i32
    %dma_wait3A_141 = tpu.memref_slice %arg7[%dma_wait3A_139, %dma_wait3A_140] : memref<2x4096xf32, #tpu.memory_space<vmem>> -> memref<1x4096xf32, #tpu.memory_space<vmem>>
    %dma_wait3A_142 = tpu.memref_squeeze %dma_wait3A_141 : memref<1x4096xf32, #tpu.memory_space<vmem>> -> memref<4096xf32, #tpu.memory_space<vmem>>
    %dma_wait3A_143 = arith.constant 12288 : i32
    %dma_wait3A_144 = tpu.memref_slice %arg4[%add3A_16, %dma_wait3A_143] : memref<64x16384xf32, #tpu.memory_space<hbm>> -> memref<1x4096xf32, #tpu.memory_space<hbm>>
    %dma_wait3A_145 = tpu.memref_squeeze %dma_wait3A_144 : memref<1x4096xf32, #tpu.memory_space<hbm>> -> memref<4096xf32, #tpu.memory_space<hbm>>
    %dma_wait3A_146 = arith.constant 12288 : i32
    %dma_wait3A_147 = tpu.memref_slice %arg4[%add3A_16, %dma_wait3A_146] : memref<64x16384xf32, #tpu.memory_space<hbm>> -> memref<1x4096xf32, #tpu.memory_space<hbm>>
    %dma_wait3A_148 = tpu.memref_squeeze %dma_wait3A_147 : memref<1x4096xf32, #tpu.memory_space<hbm>> -> memref<4096xf32, #tpu.memory_space<hbm>>
    %dma_wait3A_149 = arith.constant 0 : i32
    %dma_wait3A_150 = tpu.memref_slice %arg7[%dma_wait3A_139, %dma_wait3A_149] : memref<2x4096xf32, #tpu.memory_space<vmem>> -> memref<1x4096xf32, #tpu.memory_space<vmem>>
    %dma_wait3A_151 = tpu.memref_squeeze %dma_wait3A_150 : memref<1x4096xf32, #tpu.memory_space<vmem>> -> memref<4096xf32, #tpu.memory_space<vmem>>
    tpu.wait_dma2 semaphore(%arg11 : memref<!tpu.dma_semaphore, #tpu.memory_space<semaphore_mem>>) src(%dma_wait3A_151 : memref<4096xf32, #tpu.memory_space<vmem>>) dst(%dma_wait3A_148 : memref<4096xf32, #tpu.memory_space<hbm>>)
    %parallel_loop3A_152 = arith.constant 0 : i32
    %parallel_loop3A_153 = arith.constant 256 : i32
    %parallel_loop3A_154 = arith.constant 1 : i32
    scf.for %parallel_loop3A_252 = %parallel_loop3A_152 to %parallel_loop3A_153 step %parallel_loop3A_154  : i32 {
      %parallel_loop3A_253 = arith.constant 16 : i32
      %parallel_loop3A_254 = arith.muli %parallel_loop3A_252, %parallel_loop3A_253 : i32
      %parallel_loop3A_255 = arith.constant 4096 : i32
      %parallel_loop3A_256 = arith.addi %parallel_loop3A_255, %parallel_loop3A_254 : i32
      %parallel_loop3A_257 = arith.index_cast %parallel_loop3A_256 : i32 to index
      %parallel_loop3A_258 = tpu.vector_load %arg5[%parallel_loop3A_257] {strides = array<i32>} : memref<16384xi32, #tpu.memory_space<vmem>>, vector<16xi32>,
      %parallel_loop3A_259 = tpu.vector_load_idx %arg6[%parallel_loop3A_258] : memref<100000xf32, #tpu.memory_space<vmem>>[vector<16xi32>], vector<16xf32>,
      %parallel_loop3A_260 = arith.constant 1.000000e+00 : f32
      %parallel_loop3A_261 = vector.broadcast %parallel_loop3A_260 : f32 to vector<16xf32>
      %parallel_loop3A_262 = arith.addf %parallel_loop3A_259, %parallel_loop3A_261 : vector<16xf32>
      %parallel_loop3A_263 = arith.constant 16 : i32
      %parallel_loop3A_264 = arith.muli %parallel_loop3A_252, %parallel_loop3A_263 : i32
      %parallel_loop3A_265 = arith.constant 1 : i32
      %parallel_loop3A_266 = arith.index_cast %parallel_loop3A_265 : i32 to index
      %parallel_loop3A_267 = arith.index_cast %parallel_loop3A_264 : i32 to index
      %parallel_loop3A_268 = tpu.vector_load %arg7[%parallel_loop3A_266, %parallel_loop3A_267] {strides = array<i32>} : memref<2x4096xf32, #tpu.memory_space<vmem>>, vector<16xf32>,
      tpu.vector_store %arg7[%parallel_loop3A_266, %parallel_loop3A_267], %parallel_loop3A_262 {strides = array<i32>} : memref<2x4096xf32, #tpu.memory_space<vmem>>, vector<16xf32>,
    } {sc.loop_unroll_factor = 8 : i64, sc.parallel_access}
    %dma_start3A_155 = arith.constant 1 : i32
    %dma_start3A_156 = arith.constant 0 : i32
    %dma_start3A_157 = tpu.memref_slice %arg7[%dma_start3A_155, %dma_start3A_156] : memref<2x4096xf32, #tpu.memory_space<vmem>> -> memref<1x4096xf32, #tpu.memory_space<vmem>>
    %dma_start3A_158 = tpu.memref_squeeze %dma_start3A_157 : memref<1x4096xf32, #tpu.memory_space<vmem>> -> memref<4096xf32, #tpu.memory_space<vmem>>
    %dma_start3A_159 = arith.constant 4096 : i32
    %dma_start3A_160 = tpu.memref_slice %arg4[%add3A_109, %dma_start3A_159] : memref<64x16384xf32, #tpu.memory_space<hbm>> -> memref<1x4096xf32, #tpu.memory_space<hbm>>
    %dma_start3A_161 = tpu.memref_squeeze %dma_start3A_160 : memref<1x4096xf32, #tpu.memory_space<hbm>> -> memref<4096xf32, #tpu.memory_space<hbm>>
    %dma_start3A_162 = arith.constant 4096 : i32
    %dma_start3A_163 = tpu.memref_slice %arg4[%add3A_109, %dma_start3A_162] : memref<64x16384xf32, #tpu.memory_space<hbm>> -> memref<1x4096xf32, #tpu.memory_space<hbm>>
    %dma_start3A_164 = tpu.memref_squeeze %dma_start3A_163 : memref<1x4096xf32, #tpu.memory_space<hbm>> -> memref<4096xf32, #tpu.memory_space<hbm>>
    %dma_start3A_165 = arith.constant 0 : i32
    %dma_start3A_166 = tpu.memref_slice %arg7[%dma_start3A_155, %dma_start3A_165] : memref<2x4096xf32, #tpu.memory_space<vmem>> -> memref<1x4096xf32, #tpu.memory_space<vmem>>
    %dma_start3A_167 = tpu.memref_squeeze %dma_start3A_166 : memref<1x4096xf32, #tpu.memory_space<vmem>> -> memref<4096xf32, #tpu.memory_space<vmem>>
    tpu.enqueue_dma source(%dma_start3A_167 : memref<4096xf32, #tpu.memory_space<vmem>>) target(%dma_start3A_164 : memref<4096xf32, #tpu.memory_space<hbm>>) target_semaphore(%arg11 : memref<!tpu.dma_semaphore, #tpu.memory_space<semaphore_mem>>)
    %dma_wait3A_168 = arith.constant 0 : i32
    %dma_wait3A_169 = arith.constant 0 : i32
    %dma_wait3A_170 = tpu.memref_slice %arg7[%dma_wait3A_168, %dma_wait3A_169] : memref<2x4096xf32, #tpu.memory_space<vmem>> -> memref<1x4096xf32, #tpu.memory_space<vmem>>
    %dma_wait3A_171 = tpu.memref_squeeze %dma_wait3A_170 : memref<1x4096xf32, #tpu.memory_space<vmem>> -> memref<4096xf32, #tpu.memory_space<vmem>>
    %dma_wait3A_172 = arith.constant 0 : i32
    %dma_wait3A_173 = tpu.memref_slice %arg4[%add3A_109, %dma_wait3A_172] : memref<64x16384xf32, #tpu.memory_space<hbm>> -> memref<1x4096xf32, #tpu.memory_space<hbm>>
    %dma_wait3A_174 = tpu.memref_squeeze %dma_wait3A_173 : memref<1x4096xf32, #tpu.memory_space<hbm>> -> memref<4096xf32, #tpu.memory_space<hbm>>
    %dma_wait3A_175 = arith.constant 0 : i32
    %dma_wait3A_176 = tpu.memref_slice %arg4[%add3A_109, %dma_wait3A_175] : memref<64x16384xf32, #tpu.memory_space<hbm>> -> memref<1x4096xf32, #tpu.memory_space<hbm>>
    %dma_wait3A_177 = tpu.memref_squeeze %dma_wait3A_176 : memref<1x4096xf32, #tpu.memory_space<hbm>> -> memref<4096xf32, #tpu.memory_space<hbm>>
    %dma_wait3A_178 = arith.constant 0 : i32
    %dma_wait3A_179 = tpu.memref_slice %arg7[%dma_wait3A_168, %dma_wait3A_178] : memref<2x4096xf32, #tpu.memory_space<vmem>> -> memref<1x4096xf32, #tpu.memory_space<vmem>>
    %dma_wait3A_180 = tpu.memref_squeeze %dma_wait3A_179 : memref<1x4096xf32, #tpu.memory_space<vmem>> -> memref<4096xf32, #tpu.memory_space<vmem>>
    tpu.wait_dma2 semaphore(%arg10 : memref<!tpu.dma_semaphore, #tpu.memory_space<semaphore_mem>>) src(%dma_wait3A_180 : memref<4096xf32, #tpu.memory_space<vmem>>) dst(%dma_wait3A_177 : memref<4096xf32, #tpu.memory_space<hbm>>)
    %parallel_loop3A_181 = arith.constant 0 : i32
    %parallel_loop3A_182 = arith.constant 256 : i32
    %parallel_loop3A_183 = arith.constant 1 : i32
    scf.for %parallel_loop3A_252 = %parallel_loop3A_181 to %parallel_loop3A_182 step %parallel_loop3A_183  : i32 {
      %parallel_loop3A_253 = arith.constant 16 : i32
      %parallel_loop3A_254 = arith.muli %parallel_loop3A_252, %parallel_loop3A_253 : i32
      %parallel_loop3A_255 = arith.constant 8192 : i32
      %parallel_loop3A_256 = arith.addi %parallel_loop3A_255, %parallel_loop3A_254 : i32
      %parallel_loop3A_257 = arith.index_cast %parallel_loop3A_256 : i32 to index
      %parallel_loop3A_258 = tpu.vector_load %arg5[%parallel_loop3A_257] {strides = array<i32>} : memref<16384xi32, #tpu.memory_space<vmem>>, vector<16xi32>,
      %parallel_loop3A_259 = tpu.vector_load_idx %arg6[%parallel_loop3A_258] : memref<100000xf32, #tpu.memory_space<vmem>>[vector<16xi32>], vector<16xf32>,
      %parallel_loop3A_260 = arith.constant 1.000000e+00 : f32
      %parallel_loop3A_261 = vector.broadcast %parallel_loop3A_260 : f32 to vector<16xf32>
      %parallel_loop3A_262 = arith.addf %parallel_loop3A_259, %parallel_loop3A_261 : vector<16xf32>
      %parallel_loop3A_263 = arith.constant 16 : i32
      %parallel_loop3A_264 = arith.muli %parallel_loop3A_252, %parallel_loop3A_263 : i32
      %parallel_loop3A_265 = arith.constant 0 : i32
      %parallel_loop3A_266 = arith.index_cast %parallel_loop3A_265 : i32 to index
      %parallel_loop3A_267 = arith.index_cast %parallel_loop3A_264 : i32 to index
      %parallel_loop3A_268 = tpu.vector_load %arg7[%parallel_loop3A_266, %parallel_loop3A_267] {strides = array<i32>} : memref<2x4096xf32, #tpu.memory_space<vmem>>, vector<16xf32>,
      tpu.vector_store %arg7[%parallel_loop3A_266, %parallel_loop3A_267], %parallel_loop3A_262 {strides = array<i32>} : memref<2x4096xf32, #tpu.memory_space<vmem>>, vector<16xf32>,
    } {sc.loop_unroll_factor = 8 : i64, sc.parallel_access}
    %dma_start3A_184 = arith.constant 0 : i32
    %dma_start3A_185 = arith.constant 0 : i32
    %dma_start3A_186 = tpu.memref_slice %arg7[%dma_start3A_184, %dma_start3A_185] : memref<2x4096xf32, #tpu.memory_space<vmem>> -> memref<1x4096xf32, #tpu.memory_space<vmem>>
    %dma_start3A_187 = tpu.memref_squeeze %dma_start3A_186 : memref<1x4096xf32, #tpu.memory_space<vmem>> -> memref<4096xf32, #tpu.memory_space<vmem>>
    %dma_start3A_188 = arith.constant 8192 : i32
    %dma_start3A_189 = tpu.memref_slice %arg4[%add3A_109, %dma_start3A_188] : memref<64x16384xf32, #tpu.memory_space<hbm>> -> memref<1x4096xf32, #tpu.memory_space<hbm>>
    %dma_start3A_190 = tpu.memref_squeeze %dma_start3A_189 : memref<1x4096xf32, #tpu.memory_space<hbm>> -> memref<4096xf32, #tpu.memory_space<hbm>>
    %dma_start3A_191 = arith.constant 8192 : i32
    %dma_start3A_192 = tpu.memref_slice %arg4[%add3A_109, %dma_start3A_191] : memref<64x16384xf32, #tpu.memory_space<hbm>> -> memref<1x4096xf32, #tpu.memory_space<hbm>>
    %dma_start3A_193 = tpu.memref_squeeze %dma_start3A_192 : memref<1x4096xf32, #tpu.memory_space<hbm>> -> memref<4096xf32, #tpu.memory_space<hbm>>
    %dma_start3A_194 = arith.constant 0 : i32
    %dma_start3A_195 = tpu.memref_slice %arg7[%dma_start3A_184, %dma_start3A_194] : memref<2x4096xf32, #tpu.memory_space<vmem>> -> memref<1x4096xf32, #tpu.memory_space<vmem>>
    %dma_start3A_196 = tpu.memref_squeeze %dma_start3A_195 : memref<1x4096xf32, #tpu.memory_space<vmem>> -> memref<4096xf32, #tpu.memory_space<vmem>>
    tpu.enqueue_dma source(%dma_start3A_196 : memref<4096xf32, #tpu.memory_space<vmem>>) target(%dma_start3A_193 : memref<4096xf32, #tpu.memory_space<hbm>>) target_semaphore(%arg10 : memref<!tpu.dma_semaphore, #tpu.memory_space<semaphore_mem>>)
    %dma_wait3A_197 = arith.constant 1 : i32
    %dma_wait3A_198 = arith.constant 0 : i32
    %dma_wait3A_199 = tpu.memref_slice %arg7[%dma_wait3A_197, %dma_wait3A_198] : memref<2x4096xf32, #tpu.memory_space<vmem>> -> memref<1x4096xf32, #tpu.memory_space<vmem>>
    %dma_wait3A_200 = tpu.memref_squeeze %dma_wait3A_199 : memref<1x4096xf32, #tpu.memory_space<vmem>> -> memref<4096xf32, #tpu.memory_space<vmem>>
    %dma_wait3A_201 = arith.constant 4096 : i32
    %dma_wait3A_202 = tpu.memref_slice %arg4[%add3A_109, %dma_wait3A_201] : memref<64x16384xf32, #tpu.memory_space<hbm>> -> memref<1x4096xf32, #tpu.memory_space<hbm>>
    %dma_wait3A_203 = tpu.memref_squeeze %dma_wait3A_202 : memref<1x4096xf32, #tpu.memory_space<hbm>> -> memref<4096xf32, #tpu.memory_space<hbm>>
    %dma_wait3A_204 = arith.constant 4096 : i32
    %dma_wait3A_205 = tpu.memref_slice %arg4[%add3A_109, %dma_wait3A_204] : memref<64x16384xf32, #tpu.memory_space<hbm>> -> memref<1x4096xf32, #tpu.memory_space<hbm>>
    %dma_wait3A_206 = tpu.memref_squeeze %dma_wait3A_205 : memref<1x4096xf32, #tpu.memory_space<hbm>> -> memref<4096xf32, #tpu.memory_space<hbm>>
    %dma_wait3A_207 = arith.constant 0 : i32
    %dma_wait3A_208 = tpu.memref_slice %arg7[%dma_wait3A_197, %dma_wait3A_207] : memref<2x4096xf32, #tpu.memory_space<vmem>> -> memref<1x4096xf32, #tpu.memory_space<vmem>>
    %dma_wait3A_209 = tpu.memref_squeeze %dma_wait3A_208 : memref<1x4096xf32, #tpu.memory_space<vmem>> -> memref<4096xf32, #tpu.memory_space<vmem>>
    tpu.wait_dma2 semaphore(%arg11 : memref<!tpu.dma_semaphore, #tpu.memory_space<semaphore_mem>>) src(%dma_wait3A_209 : memref<4096xf32, #tpu.memory_space<vmem>>) dst(%dma_wait3A_206 : memref<4096xf32, #tpu.memory_space<hbm>>)
    %parallel_loop3A_210 = arith.constant 0 : i32
    %parallel_loop3A_211 = arith.constant 256 : i32
    %parallel_loop3A_212 = arith.constant 1 : i32
    scf.for %parallel_loop3A_252 = %parallel_loop3A_210 to %parallel_loop3A_211 step %parallel_loop3A_212  : i32 {
      %parallel_loop3A_253 = arith.constant 16 : i32
      %parallel_loop3A_254 = arith.muli %parallel_loop3A_252, %parallel_loop3A_253 : i32
      %parallel_loop3A_255 = arith.constant 12288 : i32
      %parallel_loop3A_256 = arith.addi %parallel_loop3A_255, %parallel_loop3A_254 : i32
      %parallel_loop3A_257 = arith.index_cast %parallel_loop3A_256 : i32 to index
      %parallel_loop3A_258 = tpu.vector_load %arg5[%parallel_loop3A_257] {strides = array<i32>} : memref<16384xi32, #tpu.memory_space<vmem>>, vector<16xi32>,
      %parallel_loop3A_259 = tpu.vector_load_idx %arg6[%parallel_loop3A_258] : memref<100000xf32, #tpu.memory_space<vmem>>[vector<16xi32>], vector<16xf32>,
      %parallel_loop3A_260 = arith.constant 1.000000e+00 : f32
      %parallel_loop3A_261 = vector.broadcast %parallel_loop3A_260 : f32 to vector<16xf32>
      %parallel_loop3A_262 = arith.addf %parallel_loop3A_259, %parallel_loop3A_261 : vector<16xf32>
      %parallel_loop3A_263 = arith.constant 16 : i32
      %parallel_loop3A_264 = arith.muli %parallel_loop3A_252, %parallel_loop3A_263 : i32
      %parallel_loop3A_265 = arith.constant 1 : i32
      %parallel_loop3A_266 = arith.index_cast %parallel_loop3A_265 : i32 to index
      %parallel_loop3A_267 = arith.index_cast %parallel_loop3A_264 : i32 to index
      %parallel_loop3A_268 = tpu.vector_load %arg7[%parallel_loop3A_266, %parallel_loop3A_267] {strides = array<i32>} : memref<2x4096xf32, #tpu.memory_space<vmem>>, vector<16xf32>,
      tpu.vector_store %arg7[%parallel_loop3A_266, %parallel_loop3A_267], %parallel_loop3A_262 {strides = array<i32>} : memref<2x4096xf32, #tpu.memory_space<vmem>>, vector<16xf32>,
    } {sc.loop_unroll_factor = 8 : i64, sc.parallel_access}
    %dma_start3A_213 = arith.constant 1 : i32
    %dma_start3A_214 = arith.constant 0 : i32
    %dma_start3A_215 = tpu.memref_slice %arg7[%dma_start3A_213, %dma_start3A_214] : memref<2x4096xf32, #tpu.memory_space<vmem>> -> memref<1x4096xf32, #tpu.memory_space<vmem>>
    %dma_start3A_216 = tpu.memref_squeeze %dma_start3A_215 : memref<1x4096xf32, #tpu.memory_space<vmem>> -> memref<4096xf32, #tpu.memory_space<vmem>>
    %dma_start3A_217 = arith.constant 12288 : i32
    %dma_start3A_218 = tpu.memref_slice %arg4[%add3A_109, %dma_start3A_217] : memref<64x16384xf32, #tpu.memory_space<hbm>> -> memref<1x4096xf32, #tpu.memory_space<hbm>>
    %dma_start3A_219 = tpu.memref_squeeze %dma_start3A_218 : memref<1x4096xf32, #tpu.memory_space<hbm>> -> memref<4096xf32, #tpu.memory_space<hbm>>
    %dma_start3A_220 = arith.constant 12288 : i32
    %dma_start3A_221 = tpu.memref_slice %arg4[%add3A_109, %dma_start3A_220] : memref<64x16384xf32, #tpu.memory_space<hbm>> -> memref<1x4096xf32, #tpu.memory_space<hbm>>
    %dma_start3A_222 = tpu.memref_squeeze %dma_start3A_221 : memref<1x4096xf32, #tpu.memory_space<hbm>> -> memref<4096xf32, #tpu.memory_space<hbm>>
    %dma_start3A_223 = arith.constant 0 : i32
    %dma_start3A_224 = tpu.memref_slice %arg7[%dma_start3A_213, %dma_start3A_223] : memref<2x4096xf32, #tpu.memory_space<vmem>> -> memref<1x4096xf32, #tpu.memory_space<vmem>>
    %dma_start3A_225 = tpu.memref_squeeze %dma_start3A_224 : memref<1x4096xf32, #tpu.memory_space<vmem>> -> memref<4096xf32, #tpu.memory_space<vmem>>
    tpu.enqueue_dma source(%dma_start3A_225 : memref<4096xf32, #tpu.memory_space<vmem>>) target(%dma_start3A_222 : memref<4096xf32, #tpu.memory_space<hbm>>) target_semaphore(%arg11 : memref<!tpu.dma_semaphore, #tpu.memory_space<semaphore_mem>>)
    %dma_wait3A_226 = arith.constant 0 : i32
    %dma_wait3A_227 = arith.constant 0 : i32
    %dma_wait3A_228 = tpu.memref_slice %arg7[%dma_wait3A_226, %dma_wait3A_227] : memref<2x4096xf32, #tpu.memory_space<vmem>> -> memref<1x4096xf32, #tpu.memory_space<vmem>>
    %dma_wait3A_229 = tpu.memref_squeeze %dma_wait3A_228 : memref<1x4096xf32, #tpu.memory_space<vmem>> -> memref<4096xf32, #tpu.memory_space<vmem>>
    %dma_wait3A_230 = arith.constant 8192 : i32
    %dma_wait3A_231 = tpu.memref_slice %arg4[%add3A_109, %dma_wait3A_230] : memref<64x16384xf32, #tpu.memory_space<hbm>> -> memref<1x4096xf32, #tpu.memory_space<hbm>>
    %dma_wait3A_232 = tpu.memref_squeeze %dma_wait3A_231 : memref<1x4096xf32, #tpu.memory_space<hbm>> -> memref<4096xf32, #tpu.memory_space<hbm>>
    %dma_wait3A_233 = arith.constant 8192 : i32
    %dma_wait3A_234 = tpu.memref_slice %arg4[%add3A_109, %dma_wait3A_233] : memref<64x16384xf32, #tpu.memory_space<hbm>> -> memref<1x4096xf32, #tpu.memory_space<hbm>>
    %dma_wait3A_235 = tpu.memref_squeeze %dma_wait3A_234 : memref<1x4096xf32, #tpu.memory_space<hbm>> -> memref<4096xf32, #tpu.memory_space<hbm>>
    %dma_wait3A_236 = arith.constant 0 : i32
    %dma_wait3A_237 = tpu.memref_slice %arg7[%dma_wait3A_226, %dma_wait3A_236] : memref<2x4096xf32, #tpu.memory_space<vmem>> -> memref<1x4096xf32, #tpu.memory_space<vmem>>
    %dma_wait3A_238 = tpu.memref_squeeze %dma_wait3A_237 : memref<1x4096xf32, #tpu.memory_space<vmem>> -> memref<4096xf32, #tpu.memory_space<vmem>>
    tpu.wait_dma2 semaphore(%arg10 : memref<!tpu.dma_semaphore, #tpu.memory_space<semaphore_mem>>) src(%dma_wait3A_238 : memref<4096xf32, #tpu.memory_space<vmem>>) dst(%dma_wait3A_235 : memref<4096xf32, #tpu.memory_space<hbm>>)
    %dma_wait3A_239 = arith.constant 1 : i32
    %dma_wait3A_240 = arith.constant 0 : i32
    %dma_wait3A_241 = tpu.memref_slice %arg7[%dma_wait3A_239, %dma_wait3A_240] : memref<2x4096xf32, #tpu.memory_space<vmem>> -> memref<1x4096xf32, #tpu.memory_space<vmem>>
    %dma_wait3A_242 = tpu.memref_squeeze %dma_wait3A_241 : memref<1x4096xf32, #tpu.memory_space<vmem>> -> memref<4096xf32, #tpu.memory_space<vmem>>
    %dma_wait3A_243 = arith.constant 12288 : i32
    %dma_wait3A_244 = tpu.memref_slice %arg4[%add3A_109, %dma_wait3A_243] : memref<64x16384xf32, #tpu.memory_space<hbm>> -> memref<1x4096xf32, #tpu.memory_space<hbm>>
    %dma_wait3A_245 = tpu.memref_squeeze %dma_wait3A_244 : memref<1x4096xf32, #tpu.memory_space<hbm>> -> memref<4096xf32, #tpu.memory_space<hbm>>
    %dma_wait3A_246 = arith.constant 12288 : i32
    %dma_wait3A_247 = tpu.memref_slice %arg4[%add3A_109, %dma_wait3A_246] : memref<64x16384xf32, #tpu.memory_space<hbm>> -> memref<1x4096xf32, #tpu.memory_space<hbm>>
    %dma_wait3A_248 = tpu.memref_squeeze %dma_wait3A_247 : memref<1x4096xf32, #tpu.memory_space<hbm>> -> memref<4096xf32, #tpu.memory_space<hbm>>
    %dma_wait3A_249 = arith.constant 0 : i32
    %dma_wait3A_250 = tpu.memref_slice %arg7[%dma_wait3A_239, %dma_wait3A_249] : memref<2x4096xf32, #tpu.memory_space<vmem>> -> memref<1x4096xf32, #tpu.memory_space<vmem>>
    %dma_wait3A_251 = tpu.memref_squeeze %dma_wait3A_250 : memref<1x4096xf32, #tpu.memory_space<vmem>> -> memref<4096xf32, #tpu.memory_space<vmem>>
    tpu.wait_dma2 semaphore(%arg11 : memref<!tpu.dma_semaphore, #tpu.memory_space<semaphore_mem>>) src(%dma_wait3A_251 : memref<4096xf32, #tpu.memory_space<vmem>>) dst(%dma_wait3A_248 : memref<4096xf32, #tpu.memory_space<hbm>>)
    return
  }
}

</mosaic_0001>

<sc_bundles>
// kernel: kernel.3.cloned.1.call-start
scs
__scs_entry_jumppad:
0x0: {  	(pc) =	sbr.rel $0x88, $3  }
0x1: {  	(tag) =	ssettag $0x0;
	lr =	simm.s32 $0x1  }
0x2: {  	[smem:$0x3F9F] =	sst lr;
	_ =	strace $0xD0000000  }
0x3: {  	_ = 	snop  }
0x4: {  	_ = 	snop  }
0x5: {  	_ = 	snop  }
0x6: {  	_ = 	snop  }
0x7: {  	_ = 	snop  }
__scs_overlays_trampoline_lowered:
0x8: {  	[smem:$0x3FAE] =	sst s0  }
0x9: {  	[smem:$0x3FAF] =	sst s1  }
0xa: {  	[smem:$0x3FB0] =	sst s2  }
0xb: {  	[smem:$0x3FB1] =	sst s3  }
0xc: {  	[smem:$0x3FB2] =	sst s4  }
0xd: {  	[smem:$0x3FB3] =	sst s5  }
0xe: {  	[smem:$0x3FB4] =	sst s6  }
0xf: {  	[smem:$0x3FB5] =	sst s7  }
0x10: {  	[smem:$0x3FB6] =	sst s8  }
0x11: {  	[smem:$0x3FB7] =	sst s9;
	s0 =	simm.s32 @!p0 $0x0  }
0x12: {  	s1 =	sld [smem:$0x3F9D];
	s0 =	simm.s32 @p0 $0x1  }
0x13: {  	[smem:$0x3FB8] =	sst s0;
	s0 =	simm.s32 @!p1 $0x0  }
0x14: {  	s2 =	sld [smem:$0x3F9C];
	s0 =	simm.s32 @p1 $0x1  }
0x15: {  	[smem:$0x3FB9] =	sst s0;
	s0 =	simm.s32 @!p2 $0x0  }
0x16: {  	s3 =	sld [smem:$0x3FDB];
	s0 =	simm.s32 @p2 $0x1  }
0x17: {  	s4 =	simm.s32 $0x1BF5;
	[smem:$0x3FBB] =	sst s0  }
0x18: {  	s0 =	sld [smem:$0x3F9E];
	_ =	swait.ge [sflag:s4], $0x0  }
0x19: {  	s7 =	sld [smem:$0x3F9F]  }
0x1a: {  	s8 =	sadd.s32 $0xFFFFE003, lr  }
0x1b: {  	s9 =	sadd.s32 $0xFFFFFEF7, lr;
	s5 =	simm.s32 $0xFFFFFFFF;
	p2 =	slt.u32 s8, $0xFFFFF086  }
0x1c: {  	p1 =	slt.u32 s9, $0xF7A;
	s5 =	simm.s32 @!p2 $0x0  }
0x1d: {  	s5 =	simm.s32 @p1 $0x1;
	p0 =	seq.s32 s7, s2  }
0x1e: {  	s7 =	smul.u32 @!p0 $0xF7A, s2;
	p2 =	seq.s32 @!p0 s5, $0x0  }
0x1f: {  	s9 =	smul.u32 $0xF7A, s1;
	s8 =	simm.s32 @!p0 $0x1BF5;
	p2 =	por !p2, p0  }
0x20: {  	[sflag:s8] =	ssyncset.s32 @!p0 $0xFFFFF086;
	s6 =	sadd.s32 @!p0 s3, s7;
	s7 =	simm.s32 @!p0 $0x108  }
0x21: {  	s3 =	sadd.s32 s3, s9;
	s6 =	sadd.s32 @!p0 $0x88, s6;
	s7 =	simm.s32 @p2 $0x1082  }
0x22: {  	[simem:s7], [sflag:s8] =	dma.local @!p0 [hbm:s6], $0xF7A  }
0x23: {  	s9 =	sor.u32 $0xD0000000, s2;
	s6 =	simm.s32 $0x108;
	_ =	swait.ge @!p0 [sflag:s8], $0x0  }
0x24: {  	s3 =	sadd.s32 $0x88, s3;
	s6 =	simm.s32 @!p1 $0x1082;
	[sflag:s4] =	ssyncset.s32 $0xFFFFF086  }
0x25: {  	[simem:s6], [sflag:s4] =	dma.local [hbm:s3], $0xF7A  }
0x26: {  	[smem:$0x3F9F] =	sst s1;
	(tag) =	ssettag s2;
	_ =	strace s9  }
0x27: {  	s1 =	sld [smem:$0x3FAF]  }
0x28: {  	s2 =	sld [smem:$0x3FB0]  }
0x29: {  	s4 =	sld [smem:$0x3FB2]  }
0x2a: {  	p0 =	seq.s32 s5, $0x0;
	s5 =	sld [smem:$0x3FB3]  }
0x2b: {  	s6 =	sld [smem:$0x3FB4]  }
0x2c: {  	s7 =	sld [smem:$0x3FB5]  }
0x2d: {  	s3 =	simm.s32 $0x108;
	s8 =	sld [smem:$0x3FB6]  }
0x2e: {  	s3 =	simm.s32 @!p0 $0x1082;
	s9 =	sld [smem:$0x3FB7]  }
0x2f: {  	lr =	sadd.s32 s0, s3;
	s0 =	sld [smem:$0x3FAE]  }
0x30: {  	s3 =	sld [smem:$0x3FB1]  }
0x31: {  	[smem:$0x3FBA] =	sst s10  }
0x32: {  	s10 =	sld [smem:$0x3FB8];
	_ =	sdelay $0x3  }
0x33: {  	p0 =	seq.s32 s10, $0x1;
	s10 =	sld [smem:$0x3FBA];
	_ =	sdelay $0x3  }
0x34: {  	[smem:$0x3FBA] =	sst s10  }
0x35: {  	s10 =	sld [smem:$0x3FB9];
	_ =	sdelay $0x3  }
0x36: {  	p1 =	seq.s32 s10, $0x1;
	s10 =	sld [smem:$0x3FBA];
	_ =	sdelay $0x3  }
0x37: {  	[smem:$0x3FBA] =	sst s10  }
0x38: {  	s10 =	sld [smem:$0x3FBB]  }
0x39: {  	_ = 	snop;
	(pc) =	sbr.ind lr, $3  }
0x3a: {  	_ = 	snop  }
0x3b: {  	_ = 	snop  }
0x3c: {  	p2 =	seq.s32 s10, $0x1;
	s10 =	sld [smem:$0x3FBA]  }
0x3d: {  	_ =	shalt  }
0x3e: {  	_ =	shalt  }
0x3f: {  	_ =	shalt  }
0x40: {  	_ =	shalt  }
0x41: {  	_ =	shalt  }
0x42: {  	_ =	shalt  }
0x43: {  	_ =	shalt  }
0x44: {  	_ =	shalt  }
0x45: {  	_ =	shalt  }
0x46: {  	_ =	shalt  }
0x47: {  	_ =	shalt  }
0x48: {  	_ =	shalt  }
0x49: {  	_ =	shalt  }
0x4a: {  	_ =	shalt  }
0x4b: {  	_ =	shalt  }
0x4c: {  	_ =	shalt  }
0x4d: {  	_ =	shalt  }
0x4e: {  	_ =	shalt  }
0x4f: {  	_ =	shalt  }
0x50: {  	_ =	shalt  }
0x51: {  	_ =	shalt  }
0x52: {  	_ =	shalt  }
0x53: {  	_ =	shalt  }
0x54: {  	_ =	shalt  }
0x55: {  	_ =	shalt  }
0x56: {  	_ =	shalt  }
0x57: {  	_ =	shalt  }
0x58: {  	_ =	shalt  }
0x59: {  	_ =	shalt  }
0x5a: {  	_ =	shalt  }
0x5b: {  	_ =	shalt  }
0x5c: {  	_ =	shalt  }
0x5d: {  	_ =	shalt  }
0x5e: {  	_ =	shalt  }
0x5f: {  	_ =	shalt  }
0x60: {  	_ =	shalt  }
0x61: {  	_ =	shalt  }
0x62: {  	_ =	shalt  }
0x63: {  	_ =	shalt  }
0x64: {  	_ =	shalt  }
0x65: {  	_ =	shalt  }
0x66: {  	_ =	shalt  }
0x67: {  	_ =	shalt  }
0x68: {  	_ =	shalt  }
0x69: {  	_ =	shalt  }
0x6a: {  	_ =	shalt  }
0x6b: {  	_ =	shalt  }
0x6c: {  	_ =	shalt  }
0x6d: {  	_ =	shalt  }
0x6e: {  	_ =	shalt  }
0x6f: {  	_ =	shalt  }
0x70: {  	_ =	shalt  }
0x71: {  	_ =	shalt  }
0x72: {  	_ =	shalt  }
0x73: {  	_ =	shalt  }
0x74: {  	_ =	shalt  }
0x75: {  	_ =	shalt  }
0x76: {  	_ =	shalt  }
0x77: {  	_ =	shalt  }
0x78: {  	_ =	shalt  }
0x79: {  	_ =	shalt  }
0x7a: {  	_ =	shalt  }
0x7b: {  	_ =	shalt  }
0x7c: {  	_ =	shalt  }
0x7d: {  	_ =	shalt  }
0x7e: {  	_ =	shalt  }
0x7f: {  	_ =	shalt  }
0x80: {  	_ =	shalt  }
0x81: {  	_ =	shalt  }
0x82: {  	_ =	shalt  }
0x83: {  	_ =	shalt  }
0x84: {  	_ =	shalt  }
0x85: {  	_ =	shalt  }
0x86: {  	_ =	shalt  }
0x87: {  	_ =	shalt  }
.Lfunc_end0:
.L_simem_size_0:
called_computation_lowered:
.L_overlay_start_0:
0x88: {  	s2 =	sld [smem:$0x3FD9]  }
0x89: {  	s3 =	sld [smem:$0x3FFE];
	_ =	sdelay $0x1  }
0x8a: {  	s1 =	srdreg.scid  }
0x8b: {  	s0 =	sand.u32 $0x1, s1  }
0x8c: {  	s18 =	sshll.u32 s0, $0xA;
	s2 =	sadd.s32 s3, s2  }
0x8d: {  	s2 =	sadd.s32 s2, s18  }
0x8e: {  	[smem:$0x3FC6] =	sst s2  }
0x8f: {  	_ = 	snop  }
0x90: {  	s2 =	sld [smem:$0x3FC9]  }
0x91: {  	s19 =	sld [smem:$0x3FC8]  }
0x92: {  	s4 =	sld [smem:$0x3FD0];
	(tm) =	ssettm $0x1  }
0x93: {  	s5 =	sld [smem:$0x3FFB];
	_ =	sdelay $0x3  }
0x94: {  	_ =	strace s5  }
0x95: {  	s5 =	sld [smem:$0x3FFC];
	_ =	sdelay $0x3  }
0x96: {  	_ =	strace s5  }
0x97: {  	s5 =	sld [smem:$0x3FFD];
	_ =	sdelay $0x3  }
0x98: {  	_ =	strace s5  }
0x99: {  	_ =	strace $0x8FFFFFFF  }
0x9a: {  	s20 =	sld [smem:$0x3FDB];
	_ =	sdelay $0x1  }
0x9b: {  	s6 =	simm.s32 $_scs_section_size  }
0x9c: {  	s7 =	simm.s32 $_size__tile_overlayer_lowered;
	s8 =	simm.s32 $_tile_overlayer_lowered  }
0x9d: {  	s23 =	simm.s32 $0x1BFF;
	s22 =	sshll.u32 s8, $0x1;
	s5 =	sadd.s32 s6, s20  }
0x9e: {  	s9 =	simm.s32 $0x0;
	s21 =	sshll.u32 s7, $0x1;
	s7 =	sadd.s32 s22, s5  }
0x9f: {  	[timem:s9], [sflag:s23] =	dma.local [hbm:s7], s21  }
0xa0: {  	_ =	swait.ge [sflag:s23], s21  }
0xa1: {  	s6 =	ssub.s32 $0x0, s21;
	[sflag:s23] =	ssyncset.done $0x0  }
0xa2: {  	[sflag:s23] =	ssyncadd.s32 s6;
	_ =	sdelay $0x1  }
0xa3: {  	s24 =	simm.s32 $0x1B8B  }
0xa4: {  	_ =	swait.ge [sflag:s24], $0x1  }
0xa5: {  	[sflag:s24] =	ssyncset.done $0x0  }
0xa6: {  	s25 =	simm.s32 $0x1B8E;
	[sflag:s24] =	ssyncadd.s32 $0xFFFFFFFF  }
0xa7: {  	s26 =	simm.s32 $execute0_lowered;
	[smem:$0x3FD2] =	sst s25  }
0xa8: {  	s6 =	sshll.u32 s26, $0x1;
	_ =	strace $0x80000046;
	[dreg:$0x1] =	wrdreg $0xFFFFFFFF  }
0xa9: {  	s28 =	simm.s32 $_size_execute0_lowered;
	s5 =	sadd.s32 s5, s6;
	[dreg:$0x0] =	wrdreg $0x0  }
0xaa: {  	s6 =	sshll.u32 s28, $0x1;
	[dreg:$0x2] =	wrdreg s5  }
0xab: {  	[dreg:$0x3] =	wrdreg s6  }
0xac: {  	[dreg:$0x4] =	wrdreg $0xC0  }
0xad: {  	_ =	task [dreg:s9], $0x5FFFF  }
0xae: {  	[dreg:$0x1] =	wrdreg $0xFFFFFFFF  }
0xaf: {  	[dreg:$0x0] =	wrdreg $0x60  }
0xb0: {  	[dreg:$0x2] =	wrdreg s2  }
0xb1: {  	[dreg:$0x3] =	wrdreg s19  }
0xb2: {  	[dreg:$0x4] =	wrdreg s4  }
0xb3: {  	[dreg:$0x5] =	wrdreg $0x9  }
0xb4: {  	_ =	task.clear_ibuf [dreg:s9], $0x6FFFF;
	_ =	strace $0x90000046  }
0xb5: {  	s29 =	simm.s32 $0x9;
	_ =	strace $0x80000048  }
0xb6: {  	_ =	swait.ge [sflag:s29], $0x1  }
0xb7: {  	[sflag:s29] =	ssyncadd.s32 $0xFFFFFFFF  }
0xb8: {  	_ =	strace $0x90000048  }
0xb9: {  	_ =	sfence  }
0xba: {  	s30 =	sld [smem:$0x0];
	_ =	sdelay $0x2  }
0xbb: {  	s31 =	sshll.u32 s1, $0xD;
	s1 =	sshrl.u32 s1, $0x2  }
0xbc: {  	s3 =	sand.u32 $0x4000, s31;
	s1 =	sadd.s32 s1, s30  }
0xbd: {  	s0 =	sor.u32 s3, s0;
	s1 =	sshll.u32 s1, $0x11  }
0xbe: {  	s0 =	sor.u32 s1, s0  }
0xbf: {  	s0 =	sadd.s32 $0x8F2B, s0  }
0xc0: {  	[sflag:s0] =	ssyncadd.remote.s32 $0x1  }
0xc1: {  	_ =	sfence.sel $0xFFFF  }
0xc2: {  	[dreg:$0x0] =	wrdreg $0xFFFFFFFF;
	(pc) =	sbr.abs _section_cstart, $3  }
0xc3: {  	[dreg:$0x1] =	wrdreg $0xFFFFFFFF  }
0xc4: {  	_ =	task.clear_ibuf [dreg:s9], $0x2FFFF;
	_ =	strace $0x9FFFFFFF  }
0xc5: {  	(tm) =	ssettm $0x7FFFFFFF  }
tec
execute0_lowered:
.L_overlay_start_1:
0x0: {  	(tag) =	ssettag $0x1  }
0x1: {  	s1 =	rddreg [dreg:$0x0]  }
0x2: {  	s9 =	rddreg [dreg:$0x1]  }
0x3: {  	s10 =	rddreg [dreg:$0x2]  }
0x4: {  	s0 =	rddreg [dreg:$0x3]  }
0x5: {  	s3 =	simm.s32 $0x0;
	s4 =	srdreg.scid;
	s2 =	stileid.u32  }
0x6: {  	s19 =	simm.s32 $0x2;
	s20 =	simm.s32 $0x3;
	s21 =	simm.s32 $0x4  }
0x7: {  	s22 =	simm.s32 $0x5;
	s23 =	simm.s32 $0x0;
	[smem:$0x7FF] =	sst s3  }
0x8: {  	s4 =	sand.u32 $0x1, s4;
	s5 =	sshll.u32 s2, $0x9;
	s6 =	sshrl.u32 s2, $0x1  }
0x9: {  	s15 =	sadd.s32 $0x1000, s10;
	s16 =	sadd.s32 $0x2000, s10;
	s17 =	sadd.s32 $0x3000, s10  }
0xa: {  	s7 =	sshll.u32 s4, $0x8;
	s5 =	sand.u32 $0x200, s5;
	s8 =	smul.u32 $0xC3800, s6  }
0xb: {  	_ =	strace $0x80000047;
	s4 =	ssub.s32 $0x2, s4;
	s11 =	sor.u32 s7, s5  }
0xc: {  	s12 =	sshll.u32 s6, $0x11;
	s29 =	sshrl.u32 s4, $0x1;
	s5 =	sor.u32 s8, s11  }
0xd: {  	s7 =	sor.u32 s12, s11;
	s14 =	ssub.s32 s4, s29;
	s11 =	sor.u32 $0x80, s11  }
0xe: {  	s5 =	sshrl.u32 s5, $0x3;
	s13 =	sshrl.u32 s7, $0x3;
	s18 =	sor.u32 s8, s11  }
0xf: {  	s11 =	sor.u32 s12, s11;
	s14 =	smax.u32 s14, $0x1;
	s4 =	sadd.s32 s9, s5  }
0x10: {  	s5 =	sadd.s32 s10, s13;
	s6 =	sadd.s32 s13, s15;
	s7 =	sadd.s32 s13, s16  }
0x11: {  	s8 =	sadd.s32 s13, s17;
	s30 =	sshrl.u32 s18, $0x3;
	s31 =	sshrl.u32 s11, $0x3  }
0x12: {  	s18 =	simm.s32 $0x1;
	s9 =	sadd.s32 s9, s30;
	s10 =	sadd.s32 s10, s31  }
0x13: {  	s11 =	sadd.s32 s31, s15;
	s12 =	sadd.s32 s31, s16;
	s13 =	sadd.s32 s31, s17  }
0x14: {  	s15 =	simm.s32 $0x80;
	s16 =	simm.s32 $0x400;
	s17 =	simm.s32 $0x4000  }
.LBB2_1:
0x15: {  	[tilespmem:s3], [sflag:$0x1] =	stream.linear.gather [hbm4b:s1+s3], $0x4000, $0x38;
	[tilespmem:$0x1E700] =	vst v63  }
0x16: {  	_ = 	snop  }
0x17: {  	[tilespmem:s17], [sflag:$0x2] =	stream.strided.gather [hbm4b:s4+s15], $0x18700, s16, s15, $0x38;
	[tilespmem:$0x1E700] =	vst v63  }
0x18: {  	_ =	swait.ge [sflag:s18], $0x4000  }
0x19: {  	[sflag:s18] =	ssyncset.done $0x0  }
0x1a: {  	[sflag:s18] =	ssyncadd.s32 $0xFFFFC000  }
0x1b: {  	_ =	swait.ge [sflag:s19], $0x18700  }
0x1c: {  	[sflag:s19] =	ssyncset.done $0x0  }
0x1d: {  	s24 =	simm.s32 $0x40;
	[sflag:s19] =	ssyncadd.s32 $0xFFFE7900  }
0x1e: {  	v0 =	vld [tilespmem:s24+$0x30]  }
0x1f: {  	v1 =	vld [tilespmem:s24+$0xFFFFFFD0]  }
0x20: {  	v2 =	vld [tilespmem:s24+$0xFFFFFFE0]  }
0x21: {  	v3 =	vld [tilespmem:s24+$0xFFFFFFF0]  }
0x22: {  	v6 =	vld [tilespmem:s24+$0x0]  }
0x23: {  	v7 =	vld [tilespmem:s24+$0x10]  }
0x24: {  	v8 =	vld [tilespmem:s24+$0x20]  }
0x25: {  	v9 =	vld [tilespmem:s24+$0xFFFFFFC0]  }
0x26: {  	v10 =	vld.idx.msk [tilespmem:v0+s17+$0x0], $0xffff  }
0x27: {  	v11 =	vld.idx.msk [tilespmem:v1+s17+$0x0], $0xffff  }
0x28: {  	v5 =	vld.idx.msk [tilespmem:v2+s17+$0x0], $0xffff  }
0x29: {  	v4 =	vld.idx.msk [tilespmem:v3+s17+$0x0], $0xffff  }
0x2a: {  	v3 =	vld.idx.msk [tilespmem:v6+s17+$0x0], $0xffff  }
0x2b: {  	v1 =	vld.idx.msk [tilespmem:v7+s17+$0x0], $0xffff  }
0x2c: {  	v0 =	vld.idx.msk [tilespmem:v8+s17+$0x0], $0xffff;
	v6 =	vadd.f32 $1.000000000e+00, v10  }
0x2d: {  	s25 =	simm.s32 $0x0;
	s26 =	simm.s32 $0xC0;
	s24 =	simm.s32 $0x1C740;
	v2 =	vld.idx.msk [tilespmem:v9+s17+$0x0], $0xffff;
	v7 =	vadd.f32 $1.000000000e+00, v11  }
.LBB2_2:
0x2e: {  	v8 =	vld [tilespmem:s26+$0x30];
	s25 =	sadd.s32 $0x8, s25;
	v5 =	vadd.f32 $1.000000000e+00, v5;
	[tilespmem:s24+$0x30] =	vst v6  }
0x2f: {  	v4 =	vadd.f32 $1.000000000e+00, v4;
	v6 =	vld [tilespmem:s26+$0xFFFFFFD0];
	p0 =	slt.u32 s25, $0xF8;
	[tilespmem:s24+$0xFFFFFFD0] =	vst v7  }
0x30: {  	v3 =	vadd.f32 $1.000000000e+00, v3;
	v7 =	vld [tilespmem:s26+$0xFFFFFFE0];
	[tilespmem:s24+$0xFFFFFFE0] =	vst v5  }
0x31: {  	v1 =	vadd.f32 $1.000000000e+00, v1;
	v9 =	vld [tilespmem:s26+$0xFFFFFFF0];
	[tilespmem:s24+$0xFFFFFFF0] =	vst v4  }
0x32: {  	v0 =	vadd.f32 $1.000000000e+00, v0;
	v10 =	vld [tilespmem:s26+$0x0];
	[tilespmem:s24+$0x0] =	vst v3  }
0x33: {  	v2 =	vadd.f32 $1.000000000e+00, v2;
	v11 =	vld [tilespmem:s26+$0x10];
	[tilespmem:s24+$0x10] =	vst v1  }
0x34: {  	v12 =	vld [tilespmem:s26+$0x20];
	[tilespmem:s24+$0x20] =	vst v0  }
0x35: {  	v13 =	vld [tilespmem:s26+$0xFFFFFFC0];
	[tilespmem:s24+$0xFFFFFFC0] =	vst v2  }
0x36: {  	v2 =	vld.idx.msk [tilespmem:v8+s17+$0x0], $0xffff  }
0x37: {  	v8 =	vld.idx.msk [tilespmem:v6+s17+$0x0], $0xffff  }
0x38: {  	v5 =	vld.idx.msk [tilespmem:v7+s17+$0x0], $0xffff  }
.Ltmp0:
0x39: {  	v4 =	vld.idx.msk [tilespmem:v9+s17+$0x0], $0xffff;
	(pc) =	sbr.rel @p0 .LBB2_2-.Ltmp0, $4  }
0x3a: {  	v3 =	vld.idx.msk [tilespmem:v10+s17+$0x0], $0xffff  }
0x3b: {  	v1 =	vld.idx.msk [tilespmem:v11+s17+$0x0], $0xffff  }
0x3c: {  	v6 =	vadd.f32 $1.000000000e+00, v2;
	v0 =	vld.idx.msk [tilespmem:v12+s17+$0x0], $0xffff  }
0x3d: {  	s26 =	sadd.s32 $0x80, s26;
	s24 =	sadd.s32 $0x100, s24;
	v7 =	vadd.f32 $1.000000000e+00, v8;
	v2 =	vld.idx.msk [tilespmem:v13+s17+$0x0], $0xffff  }
0x3e: {  	v5 =	vadd.f32 $1.000000000e+00, v5;
	[tilespmem:s24+$0x30] =	vst v6  }
0x3f: {  	v4 =	vadd.f32 $1.000000000e+00, v4;
	[tilespmem:s24+$0xFFFFFFD0] =	vst v7  }
0x40: {  	v3 =	vadd.f32 $1.000000000e+00, v3;
	[tilespmem:s24+$0xFFFFFFE0] =	vst v5  }
0x41: {  	[tilespmem:s24+$0xFFFFFFF0] =	vst v4;
	v1 =	vadd.f32 $1.000000000e+00, v1  }
0x42: {  	[tilespmem:s24+$0x0] =	vst v3;
	v0 =	vadd.f32 $1.000000000e+00, v0  }
0x43: {  	v2 =	vadd.f32 $1.000000000e+00, v2;
	[tilespmem:s24+$0x10] =	vst v1  }
0x44: {  	[tilespmem:s24+$0x20] =	vst v0  }
0x45: {  	s25 =	simm.s32 $0x1C700;
	[tilespmem:s24+$0xFFFFFFC0] =	vst v2;
	s24 =	simm.s32 $0x0  }
.LBB2_4:
0x46: {  	p0 =	sne.s32 s24, $0xF80  }
.Ltmp1:
0x47: {  	_ = 	snop;
	(pc) =	sbr.rel @p0 .LBB2_4-.Ltmp1, $4  }
0x48: {  	_ = 	snop  }
0x49: {  	s26 =	sadd.s32 s24, s5  }
0x4a: {  	[hbm4b:s26+s3] =	stream.linear.scatter [tilespmem:s25], [sflag:$0x3], $0x80, $0x38;
	[tilespmem:$0x1E700] =	vst v63  }
0x4b: {  	s24 =	sadd.s32 $0x80, s24;
	s25 =	sadd.s32 $0x100, s25  }
0x4c: {  	s24 =	simm.s32 $0x1070  }
0x4d: {  	v0 =	vld [tilespmem:s24+$0x0]  }
0x4e: {  	v1 =	vld [tilespmem:s24+$0xFFFFFFA0]  }
0x4f: {  	v2 =	vld [tilespmem:s24+$0xFFFFFFB0]  }
0x50: {  	v3 =	vld [tilespmem:s24+$0xFFFFFFC0]  }
0x51: {  	v6 =	vld [tilespmem:s24+$0xFFFFFFD0]  }
0x52: {  	v7 =	vld [tilespmem:s24+$0xFFFFFFE0]  }
0x53: {  	v8 =	vld [tilespmem:s24+$0xFFFFFFF0]  }
0x54: {  	v9 =	vld [tilespmem:s24+$0xFFFFFF90]  }
0x55: {  	v10 =	vld.idx.msk [tilespmem:v0+s17+$0x0], $0xffff  }
0x56: {  	v11 =	vld.idx.msk [tilespmem:v1+s17+$0x0], $0xffff  }
0x57: {  	v5 =	vld.idx.msk [tilespmem:v2+s17+$0x0], $0xffff  }
0x58: {  	v4 =	vld.idx.msk [tilespmem:v3+s17+$0x0], $0xffff  }
0x59: {  	v3 =	vld.idx.msk [tilespmem:v6+s17+$0x0], $0xffff  }
0x5a: {  	v1 =	vld.idx.msk [tilespmem:v7+s17+$0x0], $0xffff  }
0x5b: {  	v0 =	vld.idx.msk [tilespmem:v8+s17+$0x0], $0xffff;
	v6 =	vadd.f32 $1.000000000e+00, v10  }
0x5c: {  	s25 =	simm.s32 $0x0;
	s26 =	simm.s32 $0x10F0;
	s24 =	simm.s32 $0x1C7F0;
	v2 =	vld.idx.msk [tilespmem:v9+s17+$0x0], $0xffff;
	v7 =	vadd.f32 $1.000000000e+00, v11  }
.LBB2_6:
0x5d: {  	v8 =	vld [tilespmem:s26+$0x0];
	s25 =	sadd.s32 $0x8, s25;
	v5 =	vadd.f32 $1.000000000e+00, v5;
	[tilespmem:s24+$0x0] =	vst v6  }
0x5e: {  	v4 =	vadd.f32 $1.000000000e+00, v4;
	v6 =	vld [tilespmem:s26+$0xFFFFFFA0];
	p0 =	slt.u32 s25, $0xF8;
	[tilespmem:s24+$0xFFFFFFA0] =	vst v7  }
0x5f: {  	v3 =	vadd.f32 $1.000000000e+00, v3;
	v7 =	vld [tilespmem:s26+$0xFFFFFFB0];
	[tilespmem:s24+$0xFFFFFFB0] =	vst v5  }
0x60: {  	v1 =	vadd.f32 $1.000000000e+00, v1;
	v9 =	vld [tilespmem:s26+$0xFFFFFFC0];
	[tilespmem:s24+$0xFFFFFFC0] =	vst v4  }
0x61: {  	v0 =	vadd.f32 $1.000000000e+00, v0;
	v10 =	vld [tilespmem:s26+$0xFFFFFFD0];
	[tilespmem:s24+$0xFFFFFFD0] =	vst v3  }
0x62: {  	v2 =	vadd.f32 $1.000000000e+00, v2;
	v11 =	vld [tilespmem:s26+$0xFFFFFFE0];
	[tilespmem:s24+$0xFFFFFFE0] =	vst v1  }
0x63: {  	v12 =	vld [tilespmem:s26+$0xFFFFFFF0];
	[tilespmem:s24+$0xFFFFFFF0] =	vst v0  }
0x64: {  	v13 =	vld [tilespmem:s26+$0xFFFFFF90];
	[tilespmem:s24+$0xFFFFFF90] =	vst v2  }
0x65: {  	v2 =	vld.idx.msk [tilespmem:v8+s17+$0x0], $0xffff  }
0x66: {  	v8 =	vld.idx.msk [tilespmem:v6+s17+$0x0], $0xffff  }
0x67: {  	v5 =	vld.idx.msk [tilespmem:v7+s17+$0x0], $0xffff  }
.Ltmp2:
0x68: {  	v4 =	vld.idx.msk [tilespmem:v9+s17+$0x0], $0xffff;
	(pc) =	sbr.rel @p0 .LBB2_6-.Ltmp2, $4  }
0x69: {  	v3 =	vld.idx.msk [tilespmem:v10+s17+$0x0], $0xffff  }
0x6a: {  	v1 =	vld.idx.msk [tilespmem:v11+s17+$0x0], $0xffff  }
0x6b: {  	v6 =	vadd.f32 $1.000000000e+00, v2;
	v0 =	vld.idx.msk [tilespmem:v12+s17+$0x0], $0xffff  }
0x6c: {  	s26 =	sadd.s32 $0x80, s26;
	s24 =	sadd.s32 $0x100, s24;
	v7 =	vadd.f32 $1.000000000e+00, v8;
	v2 =	vld.idx.msk [tilespmem:v13+s17+$0x0], $0xffff  }
0x6d: {  	v5 =	vadd.f32 $1.000000000e+00, v5;
	[tilespmem:s24+$0x0] =	vst v6  }
0x6e: {  	v4 =	vadd.f32 $1.000000000e+00, v4;
	[tilespmem:s24+$0xFFFFFFA0] =	vst v7  }
0x6f: {  	v3 =	vadd.f32 $1.000000000e+00, v3;
	[tilespmem:s24+$0xFFFFFFB0] =	vst v5  }
0x70: {  	[tilespmem:s24+$0xFFFFFFC0] =	vst v4;
	v1 =	vadd.f32 $1.000000000e+00, v1  }
0x71: {  	[tilespmem:s24+$0xFFFFFFD0] =	vst v3;
	v0 =	vadd.f32 $1.000000000e+00, v0  }
0x72: {  	v2 =	vadd.f32 $1.000000000e+00, v2;
	[tilespmem:s24+$0xFFFFFFE0] =	vst v1  }
0x73: {  	s25 =	simm.s32 $0x1C780;
	[tilespmem:s24+$0xFFFFFFF0] =	vst v0  }
0x74: {  	s28 =	sadd.s32 $0x0, s6;
	s26 =	simm.s32 $0x1C880;
	[tilespmem:s24+$0xFFFFFF90] =	vst v2;
	s24 =	simm.s32 $0x80  }
.LBB2_8:
0x75: {  	[hbm4b:s28+s3] =	stream.linear.scatter [tilespmem:s25], [sflag:$0x4], $0x80, $0x38;
	[tilespmem:$0x1E700] =	vst v63  }
0x76: {  	s28 =	smov.u32 s24;
	s25 =	smov.u32 s26;
	p0 =	sne.s32 s24, $0xF80  }
.Ltmp3:
0x77: {  	s24 =	sadd.s32 $0x80, s24;
	(pc) =	sbr.rel @p0 .LBB2_8-.Ltmp3, $2  }
0x78: {  	_ =	sdelay $0x2  }
0x79: {  	s26 =	sadd.s32 $0x100, s26;
	s28 =	sadd.s32 s28, s6  }
0x7a: {  	[hbm4b:s28+s3] =	stream.linear.scatter [tilespmem:s25], [sflag:$0x4], $0x80, $0x38;
	[tilespmem:$0x1E700] =	vst v63  }
0x7b: {  	_ =	swait.ge [sflag:s20], $0x1000  }
0x7c: {  	[sflag:s20] =	ssyncset.done $0x0  }
0x7d: {  	s24 =	simm.s32 $0x2070;
	[sflag:s20] =	ssyncadd.s32 $0xFFFFF000  }
0x7e: {  	v0 =	vld [tilespmem:s24+$0x0]  }
0x7f: {  	v1 =	vld [tilespmem:s24+$0xFFFFFFA0]  }
0x80: {  	v2 =	vld [tilespmem:s24+$0xFFFFFFB0]  }
0x81: {  	v3 =	vld [tilespmem:s24+$0xFFFFFFC0]  }
0x82: {  	v6 =	vld [tilespmem:s24+$0xFFFFFFD0]  }
0x83: {  	v7 =	vld [tilespmem:s24+$0xFFFFFFE0]  }
0x84: {  	v8 =	vld [tilespmem:s24+$0xFFFFFFF0]  }
0x85: {  	v9 =	vld [tilespmem:s24+$0xFFFFFF90]  }
0x86: {  	v10 =	vld.idx.msk [tilespmem:v0+s17+$0x0], $0xffff  }
0x87: {  	v11 =	vld.idx.msk [tilespmem:v1+s17+$0x0], $0xffff  }
0x88: {  	v5 =	vld.idx.msk [tilespmem:v2+s17+$0x0], $0xffff  }
0x89: {  	v4 =	vld.idx.msk [tilespmem:v3+s17+$0x0], $0xffff  }
0x8a: {  	v3 =	vld.idx.msk [tilespmem:v6+s17+$0x0], $0xffff  }
0x8b: {  	v1 =	vld.idx.msk [tilespmem:v7+s17+$0x0], $0xffff  }
0x8c: {  	v0 =	vld.idx.msk [tilespmem:v8+s17+$0x0], $0xffff;
	v6 =	vadd.f32 $1.000000000e+00, v10  }
0x8d: {  	s25 =	simm.s32 $0x0;
	s26 =	simm.s32 $0x20F0;
	s24 =	simm.s32 $0x1C740;
	v2 =	vld.idx.msk [tilespmem:v9+s17+$0x0], $0xffff;
	v7 =	vadd.f32 $1.000000000e+00, v11  }
.LBB2_10:
0x8e: {  	v8 =	vld [tilespmem:s26+$0x0];
	s25 =	sadd.s32 $0x8, s25;
	v5 =	vadd.f32 $1.000000000e+00, v5;
	[tilespmem:s24+$0x30] =	vst v6  }
0x8f: {  	v4 =	vadd.f32 $1.000000000e+00, v4;
	v6 =	vld [tilespmem:s26+$0xFFFFFFA0];
	p0 =	slt.u32 s25, $0xF8;
	[tilespmem:s24+$0xFFFFFFD0] =	vst v7  }
0x90: {  	v3 =	vadd.f32 $1.000000000e+00, v3;
	v7 =	vld [tilespmem:s26+$0xFFFFFFB0];
	[tilespmem:s24+$0xFFFFFFE0] =	vst v5  }
0x91: {  	v1 =	vadd.f32 $1.000000000e+00, v1;
	v9 =	vld [tilespmem:s26+$0xFFFFFFC0];
	[tilespmem:s24+$0xFFFFFFF0] =	vst v4  }
0x92: {  	v0 =	vadd.f32 $1.000000000e+00, v0;
	v10 =	vld [tilespmem:s26+$0xFFFFFFD0];
	[tilespmem:s24+$0x0] =	vst v3  }
0x93: {  	v2 =	vadd.f32 $1.000000000e+00, v2;
	v11 =	vld [tilespmem:s26+$0xFFFFFFE0];
	[tilespmem:s24+$0x10] =	vst v1  }
0x94: {  	v12 =	vld [tilespmem:s26+$0xFFFFFFF0];
	[tilespmem:s24+$0x20] =	vst v0  }
0x95: {  	v13 =	vld [tilespmem:s26+$0xFFFFFF90];
	[tilespmem:s24+$0xFFFFFFC0] =	vst v2  }
0x96: {  	v2 =	vld.idx.msk [tilespmem:v8+s17+$0x0], $0xffff  }
0x97: {  	v8 =	vld.idx.msk [tilespmem:v6+s17+$0x0], $0xffff  }
0x98: {  	v5 =	vld.idx.msk [tilespmem:v7+s17+$0x0], $0xffff  }
.Ltmp4:
0x99: {  	v4 =	vld.idx.msk [tilespmem:v9+s17+$0x0], $0xffff;
	(pc) =	sbr.rel @p0 .LBB2_10-.Ltmp4, $4  }
0x9a: {  	v3 =	vld.idx.msk [tilespmem:v10+s17+$0x0], $0xffff  }
0x9b: {  	v1 =	vld.idx.msk [tilespmem:v11+s17+$0x0], $0xffff  }
0x9c: {  	v6 =	vadd.f32 $1.000000000e+00, v2;
	v0 =	vld.idx.msk [tilespmem:v12+s17+$0x0], $0xffff  }
0x9d: {  	s26 =	sadd.s32 $0x80, s26;
	s24 =	sadd.s32 $0x100, s24;
	v7 =	vadd.f32 $1.000000000e+00, v8;
	v2 =	vld.idx.msk [tilespmem:v13+s17+$0x0], $0xffff  }
0x9e: {  	v5 =	vadd.f32 $1.000000000e+00, v5;
	[tilespmem:s24+$0x30] =	vst v6  }
0x9f: {  	v4 =	vadd.f32 $1.000000000e+00, v4;
	[tilespmem:s24+$0xFFFFFFD0] =	vst v7  }
0xa0: {  	v3 =	vadd.f32 $1.000000000e+00, v3;
	[tilespmem:s24+$0xFFFFFFE0] =	vst v5  }
0xa1: {  	[tilespmem:s24+$0xFFFFFFF0] =	vst v4;
	v1 =	vadd.f32 $1.000000000e+00, v1  }
0xa2: {  	[tilespmem:s24+$0x0] =	vst v3;
	v0 =	vadd.f32 $1.000000000e+00, v0  }
0xa3: {  	v2 =	vadd.f32 $1.000000000e+00, v2;
	[tilespmem:s24+$0x10] =	vst v1  }
0xa4: {  	s25 =	simm.s32 $0x1C700;
	[tilespmem:s24+$0x20] =	vst v0  }
0xa5: {  	s28 =	sadd.s32 $0x0, s7;
	s26 =	simm.s32 $0x1C800;
	[tilespmem:s24+$0xFFFFFFC0] =	vst v2;
	s24 =	simm.s32 $0x80  }
.LBB2_12:
0xa6: {  	[hbm4b:s28+s3] =	stream.linear.scatter [tilespmem:s25], [sflag:$0x3], $0x80, $0x38;
	[tilespmem:$0x1E700] =	vst v63  }
0xa7: {  	s28 =	smov.u32 s24;
	s25 =	smov.u32 s26;
	p0 =	sne.s32 s24, $0xF80  }
.Ltmp5:
0xa8: {  	s24 =	sadd.s32 $0x80, s24;
	(pc) =	sbr.rel @p0 .LBB2_12-.Ltmp5, $2  }
0xa9: {  	_ =	sdelay $0x2  }
0xaa: {  	s26 =	sadd.s32 $0x100, s26;
	s28 =	sadd.s32 s28, s7  }
0xab: {  	[hbm4b:s28+s3] =	stream.linear.scatter [tilespmem:s25], [sflag:$0x3], $0x80, $0x38;
	[tilespmem:$0x1E700] =	vst v63  }
0xac: {  	_ =	swait.ge [sflag:s21], $0x1000  }
0xad: {  	[sflag:s21] =	ssyncset.done $0x0  }
0xae: {  	s24 =	simm.s32 $0x3070;
	[sflag:s21] =	ssyncadd.s32 $0xFFFFF000  }
0xaf: {  	v0 =	vld [tilespmem:s24+$0x0]  }
0xb0: {  	v1 =	vld [tilespmem:s24+$0xFFFFFFA0]  }
0xb1: {  	v2 =	vld [tilespmem:s24+$0xFFFFFFB0]  }
0xb2: {  	v3 =	vld [tilespmem:s24+$0xFFFFFFC0]  }
0xb3: {  	v6 =	vld [tilespmem:s24+$0xFFFFFFD0]  }
0xb4: {  	v7 =	vld [tilespmem:s24+$0xFFFFFFE0]  }
0xb5: {  	v8 =	vld [tilespmem:s24+$0xFFFFFFF0]  }
0xb6: {  	v9 =	vld [tilespmem:s24+$0xFFFFFF90]  }
0xb7: {  	v10 =	vld.idx.msk [tilespmem:v0+s17+$0x0], $0xffff  }
0xb8: {  	v11 =	vld.idx.msk [tilespmem:v1+s17+$0x0], $0xffff  }
0xb9: {  	v5 =	vld.idx.msk [tilespmem:v2+s17+$0x0], $0xffff  }
0xba: {  	v4 =	vld.idx.msk [tilespmem:v3+s17+$0x0], $0xffff  }
0xbb: {  	v3 =	vld.idx.msk [tilespmem:v6+s17+$0x0], $0xffff  }
0xbc: {  	v1 =	vld.idx.msk [tilespmem:v7+s17+$0x0], $0xffff  }
0xbd: {  	v0 =	vld.idx.msk [tilespmem:v8+s17+$0x0], $0xffff;
	v6 =	vadd.f32 $1.000000000e+00, v10  }
0xbe: {  	s25 =	simm.s32 $0x0;
	s26 =	simm.s32 $0x30F0;
	s24 =	simm.s32 $0x1C7F0;
	v2 =	vld.idx.msk [tilespmem:v9+s17+$0x0], $0xffff;
	v7 =	vadd.f32 $1.000000000e+00, v11  }
.LBB2_14:
0xbf: {  	v8 =	vld [tilespmem:s26+$0x0];
	s25 =	sadd.s32 $0x8, s25;
	v5 =	vadd.f32 $1.000000000e+00, v5;
	[tilespmem:s24+$0x0] =	vst v6  }
0xc0: {  	v4 =	vadd.f32 $1.000000000e+00, v4;
	v6 =	vld [tilespmem:s26+$0xFFFFFFA0];
	p0 =	slt.u32 s25, $0xF8;
	[tilespmem:s24+$0xFFFFFFA0] =	vst v7  }
0xc1: {  	v3 =	vadd.f32 $1.000000000e+00, v3;
	v7 =	vld [tilespmem:s26+$0xFFFFFFB0];
	[tilespmem:s24+$0xFFFFFFB0] =	vst v5  }
0xc2: {  	v1 =	vadd.f32 $1.000000000e+00, v1;
	v9 =	vld [tilespmem:s26+$0xFFFFFFC0];
	[tilespmem:s24+$0xFFFFFFC0] =	vst v4  }
0xc3: {  	v0 =	vadd.f32 $1.000000000e+00, v0;
	v10 =	vld [tilespmem:s26+$0xFFFFFFD0];
	[tilespmem:s24+$0xFFFFFFD0] =	vst v3  }
0xc4: {  	v2 =	vadd.f32 $1.000000000e+00, v2;
	v11 =	vld [tilespmem:s26+$0xFFFFFFE0];
	[tilespmem:s24+$0xFFFFFFE0] =	vst v1  }
0xc5: {  	v12 =	vld [tilespmem:s26+$0xFFFFFFF0];
	[tilespmem:s24+$0xFFFFFFF0] =	vst v0  }
0xc6: {  	v13 =	vld [tilespmem:s26+$0xFFFFFF90];
	[tilespmem:s24+$0xFFFFFF90] =	vst v2  }
0xc7: {  	v2 =	vld.idx.msk [tilespmem:v8+s17+$0x0], $0xffff  }
0xc8: {  	v8 =	vld.idx.msk [tilespmem:v6+s17+$0x0], $0xffff  }
0xc9: {  	v5 =	vld.idx.msk [tilespmem:v7+s17+$0x0], $0xffff  }
.Ltmp6:
0xca: {  	v4 =	vld.idx.msk [tilespmem:v9+s17+$0x0], $0xffff;
	(pc) =	sbr.rel @p0 .LBB2_14-.Ltmp6, $4  }
0xcb: {  	v3 =	vld.idx.msk [tilespmem:v10+s17+$0x0], $0xffff  }
0xcc: {  	v1 =	vld.idx.msk [tilespmem:v11+s17+$0x0], $0xffff  }
0xcd: {  	v6 =	vadd.f32 $1.000000000e+00, v2;
	v0 =	vld.idx.msk [tilespmem:v12+s17+$0x0], $0xffff  }
0xce: {  	s26 =	sadd.s32 $0x80, s26;
	s24 =	sadd.s32 $0x100, s24;
	v7 =	vadd.f32 $1.000000000e+00, v8;
	v2 =	vld.idx.msk [tilespmem:v13+s17+$0x0], $0xffff  }
0xcf: {  	v5 =	vadd.f32 $1.000000000e+00, v5;
	[tilespmem:s24+$0x0] =	vst v6  }
0xd0: {  	v4 =	vadd.f32 $1.000000000e+00, v4;
	[tilespmem:s24+$0xFFFFFFA0] =	vst v7  }
0xd1: {  	v3 =	vadd.f32 $1.000000000e+00, v3;
	[tilespmem:s24+$0xFFFFFFB0] =	vst v5  }
0xd2: {  	[tilespmem:s24+$0xFFFFFFC0] =	vst v4;
	v1 =	vadd.f32 $1.000000000e+00, v1  }
0xd3: {  	[tilespmem:s24+$0xFFFFFFD0] =	vst v3;
	v0 =	vadd.f32 $1.000000000e+00, v0  }
0xd4: {  	v2 =	vadd.f32 $1.000000000e+00, v2;
	[tilespmem:s24+$0xFFFFFFE0] =	vst v1  }
0xd5: {  	s25 =	simm.s32 $0x1C780;
	[tilespmem:s24+$0xFFFFFFF0] =	vst v0  }
0xd6: {  	s28 =	sadd.s32 $0x0, s8;
	s26 =	simm.s32 $0x1C880;
	[tilespmem:s24+$0xFFFFFF90] =	vst v2;
	s24 =	simm.s32 $0x80  }
.LBB2_16:
0xd7: {  	[hbm4b:s28+s3] =	stream.linear.scatter [tilespmem:s25], [sflag:$0x4], $0x80, $0x38;
	[tilespmem:$0x1E700] =	vst v63  }
0xd8: {  	s28 =	smov.u32 s24;
	s25 =	smov.u32 s26;
	p0 =	sne.s32 s24, $0xF80  }
.Ltmp7:
0xd9: {  	s24 =	sadd.s32 $0x80, s24;
	(pc) =	sbr.rel @p0 .LBB2_16-.Ltmp7, $2  }
0xda: {  	_ =	sdelay $0x2  }
0xdb: {  	s26 =	sadd.s32 $0x100, s26;
	s28 =	sadd.s32 s28, s8  }
0xdc: {  	[hbm4b:s28+s3] =	stream.linear.scatter [tilespmem:s25], [sflag:$0x4], $0x80, $0x38;
	[tilespmem:$0x1E700] =	vst v63  }
0xdd: {  	_ = 	snop  }
0xde: {  	[tilespmem:s17], [sflag:$0x5] =	stream.strided.gather [hbm4b:s9+s15], $0x18700, s16, s15, $0x38;
	[tilespmem:$0x1E700] =	vst v63  }
0xdf: {  	_ =	swait.ge [sflag:s22], $0x18700  }
0xe0: {  	[sflag:s22] =	ssyncset.done $0x0  }
0xe1: {  	[sflag:s22] =	ssyncadd.s32 $0xFFFE7900  }
0xe2: {  	_ =	swait.ge [sflag:s20], $0x1000  }
0xe3: {  	[sflag:s20] =	ssyncset.done $0x0  }
0xe4: {  	s24 =	simm.s32 $0x40;
	[sflag:s20] =	ssyncadd.s32 $0xFFFFF000  }
0xe5: {  	v0 =	vld [tilespmem:s24+$0x30]  }
0xe6: {  	v1 =	vld [tilespmem:s24+$0xFFFFFFD0]  }
0xe7: {  	v2 =	vld [tilespmem:s24+$0xFFFFFFE0]  }
0xe8: {  	v3 =	vld [tilespmem:s24+$0xFFFFFFF0]  }
0xe9: {  	v6 =	vld [tilespmem:s24+$0x0]  }
0xea: {  	v7 =	vld [tilespmem:s24+$0x10]  }
0xeb: {  	v8 =	vld [tilespmem:s24+$0x20]  }
0xec: {  	v9 =	vld [tilespmem:s24+$0xFFFFFFC0]  }
0xed: {  	v10 =	vld.idx.msk [tilespmem:v0+s17+$0x0], $0xffff  }
0xee: {  	v11 =	vld.idx.msk [tilespmem:v1+s17+$0x0], $0xffff  }
0xef: {  	v5 =	vld.idx.msk [tilespmem:v2+s17+$0x0], $0xffff  }
0xf0: {  	v4 =	vld.idx.msk [tilespmem:v3+s17+$0x0], $0xffff  }
0xf1: {  	v3 =	vld.idx.msk [tilespmem:v6+s17+$0x0], $0xffff  }
0xf2: {  	v1 =	vld.idx.msk [tilespmem:v7+s17+$0x0], $0xffff  }
0xf3: {  	v0 =	vld.idx.msk [tilespmem:v8+s17+$0x0], $0xffff;
	v6 =	vadd.f32 $1.000000000e+00, v10  }
0xf4: {  	s25 =	simm.s32 $0x0;
	s26 =	simm.s32 $0xC0;
	s24 =	simm.s32 $0x1C740;
	v2 =	vld.idx.msk [tilespmem:v9+s17+$0x0], $0xffff;
	v7 =	vadd.f32 $1.000000000e+00, v11  }
.LBB2_18:
0xf5: {  	v8 =	vld [tilespmem:s26+$0x30];
	s25 =	sadd.s32 $0x8, s25;
	v5 =	vadd.f32 $1.000000000e+00, v5;
	[tilespmem:s24+$0x30] =	vst v6  }
0xf6: {  	v4 =	vadd.f32 $1.000000000e+00, v4;
	v6 =	vld [tilespmem:s26+$0xFFFFFFD0];
	p0 =	slt.u32 s25, $0xF8;
	[tilespmem:s24+$0xFFFFFFD0] =	vst v7  }
0xf7: {  	v3 =	vadd.f32 $1.000000000e+00, v3;
	v7 =	vld [tilespmem:s26+$0xFFFFFFE0];
	[tilespmem:s24+$0xFFFFFFE0] =	vst v5  }
0xf8: {  	v1 =	vadd.f32 $1.000000000e+00, v1;
	v9 =	vld [tilespmem:s26+$0xFFFFFFF0];
	[tilespmem:s24+$0xFFFFFFF0] =	vst v4  }
0xf9: {  	v0 =	vadd.f32 $1.000000000e+00, v0;
	v10 =	vld [tilespmem:s26+$0x0];
	[tilespmem:s24+$0x0] =	vst v3  }
0xfa: {  	v2 =	vadd.f32 $1.000000000e+00, v2;
	v11 =	vld [tilespmem:s26+$0x10];
	[tilespmem:s24+$0x10] =	vst v1  }
0xfb: {  	v12 =	vld [tilespmem:s26+$0x20];
	[tilespmem:s24+$0x20] =	vst v0  }
0xfc: {  	v13 =	vld [tilespmem:s26+$0xFFFFFFC0];
	[tilespmem:s24+$0xFFFFFFC0] =	vst v2  }
0xfd: {  	v2 =	vld.idx.msk [tilespmem:v8+s17+$0x0], $0xffff  }
0xfe: {  	v8 =	vld.idx.msk [tilespmem:v6+s17+$0x0], $0xffff  }
0xff: {  	v5 =	vld.idx.msk [tilespmem:v7+s17+$0x0], $0xffff  }
.Ltmp8:
0x100: {  	v4 =	vld.idx.msk [tilespmem:v9+s17+$0x0], $0xffff;
	(pc) =	sbr.rel @p0 .LBB2_18-.Ltmp8, $4  }
0x101: {  	v3 =	vld.idx.msk [tilespmem:v10+s17+$0x0], $0xffff  }
0x102: {  	v1 =	vld.idx.msk [tilespmem:v11+s17+$0x0], $0xffff  }
0x103: {  	v6 =	vadd.f32 $1.000000000e+00, v2;
	v0 =	vld.idx.msk [tilespmem:v12+s17+$0x0], $0xffff  }
0x104: {  	s26 =	sadd.s32 $0x80, s26;
	s24 =	sadd.s32 $0x100, s24;
	v7 =	vadd.f32 $1.000000000e+00, v8;
	v2 =	vld.idx.msk [tilespmem:v13+s17+$0x0], $0xffff  }
0x105: {  	v5 =	vadd.f32 $1.000000000e+00, v5;
	[tilespmem:s24+$0x30] =	vst v6  }
0x106: {  	v4 =	vadd.f32 $1.000000000e+00, v4;
	[tilespmem:s24+$0xFFFFFFD0] =	vst v7  }
0x107: {  	v3 =	vadd.f32 $1.000000000e+00, v3;
	[tilespmem:s24+$0xFFFFFFE0] =	vst v5  }
0x108: {  	[tilespmem:s24+$0xFFFFFFF0] =	vst v4;
	v1 =	vadd.f32 $1.000000000e+00, v1  }
0x109: {  	[tilespmem:s24+$0x0] =	vst v3;
	v0 =	vadd.f32 $1.000000000e+00, v0  }
0x10a: {  	v2 =	vadd.f32 $1.000000000e+00, v2;
	[tilespmem:s24+$0x10] =	vst v1  }
0x10b: {  	s25 =	simm.s32 $0x1C700;
	[tilespmem:s24+$0x20] =	vst v0  }
0x10c: {  	s28 =	sadd.s32 $0x0, s10;
	s26 =	simm.s32 $0x1C800;
	[tilespmem:s24+$0xFFFFFFC0] =	vst v2;
	s24 =	simm.s32 $0x80  }
.LBB2_20:
0x10d: {  	[hbm4b:s28+s3] =	stream.linear.scatter [tilespmem:s25], [sflag:$0x3], $0x80, $0x38;
	[tilespmem:$0x1E700] =	vst v63  }
0x10e: {  	s28 =	smov.u32 s24;
	s25 =	smov.u32 s26;
	p0 =	sne.s32 s24, $0xF80  }
.Ltmp9:
0x10f: {  	s24 =	sadd.s32 $0x80, s24;
	(pc) =	sbr.rel @p0 .LBB2_20-.Ltmp9, $2  }
0x110: {  	_ =	sdelay $0x2  }
0x111: {  	s26 =	sadd.s32 $0x100, s26;
	s28 =	sadd.s32 s28, s10  }
0x112: {  	[hbm4b:s28+s3] =	stream.linear.scatter [tilespmem:s25], [sflag:$0x3], $0x80, $0x38;
	[tilespmem:$0x1E700] =	vst v63  }
0x113: {  	_ =	swait.ge [sflag:s21], $0x1000  }
0x114: {  	[sflag:s21] =	ssyncset.done $0x0  }
0x115: {  	s24 =	simm.s32 $0x1070;
	[sflag:s21] =	ssyncadd.s32 $0xFFFFF000  }
0x116: {  	v0 =	vld [tilespmem:s24+$0x0]  }
0x117: {  	v1 =	vld [tilespmem:s24+$0xFFFFFFA0]  }
0x118: {  	v2 =	vld [tilespmem:s24+$0xFFFFFFB0]  }
0x119: {  	v3 =	vld [tilespmem:s24+$0xFFFFFFC0]  }
0x11a: {  	v6 =	vld [tilespmem:s24+$0xFFFFFFD0]  }
0x11b: {  	v7 =	vld [tilespmem:s24+$0xFFFFFFE0]  }
0x11c: {  	v8 =	vld [tilespmem:s24+$0xFFFFFFF0]  }
0x11d: {  	v9 =	vld [tilespmem:s24+$0xFFFFFF90]  }
0x11e: {  	v10 =	vld.idx.msk [tilespmem:v0+s17+$0x0], $0xffff  }
0x11f: {  	v11 =	vld.idx.msk [tilespmem:v1+s17+$0x0], $0xffff  }
0x120: {  	v5 =	vld.idx.msk [tilespmem:v2+s17+$0x0], $0xffff  }
0x121: {  	v4 =	vld.idx.msk [tilespmem:v3+s17+$0x0], $0xffff  }
0x122: {  	v3 =	vld.idx.msk [tilespmem:v6+s17+$0x0], $0xffff  }
0x123: {  	v1 =	vld.idx.msk [tilespmem:v7+s17+$0x0], $0xffff  }
0x124: {  	v0 =	vld.idx.msk [tilespmem:v8+s17+$0x0], $0xffff;
	v6 =	vadd.f32 $1.000000000e+00, v10  }
0x125: {  	s25 =	simm.s32 $0x0;
	s26 =	simm.s32 $0x10F0;
	s24 =	simm.s32 $0x1C7F0;
	v2 =	vld.idx.msk [tilespmem:v9+s17+$0x0], $0xffff;
	v7 =	vadd.f32 $1.000000000e+00, v11  }
.LBB2_22:
0x126: {  	v8 =	vld [tilespmem:s26+$0x0];
	s25 =	sadd.s32 $0x8, s25;
	v5 =	vadd.f32 $1.000000000e+00, v5;
	[tilespmem:s24+$0x0] =	vst v6  }
0x127: {  	v4 =	vadd.f32 $1.000000000e+00, v4;
	v6 =	vld [tilespmem:s26+$0xFFFFFFA0];
	p0 =	slt.u32 s25, $0xF8;
	[tilespmem:s24+$0xFFFFFFA0] =	vst v7  }
0x128: {  	v3 =	vadd.f32 $1.000000000e+00, v3;
	v7 =	vld [tilespmem:s26+$0xFFFFFFB0];
	[tilespmem:s24+$0xFFFFFFB0] =	vst v5  }
0x129: {  	v1 =	vadd.f32 $1.000000000e+00, v1;
	v9 =	vld [tilespmem:s26+$0xFFFFFFC0];
	[tilespmem:s24+$0xFFFFFFC0] =	vst v4  }
0x12a: {  	v0 =	vadd.f32 $1.000000000e+00, v0;
	v10 =	vld [tilespmem:s26+$0xFFFFFFD0];
	[tilespmem:s24+$0xFFFFFFD0] =	vst v3  }
0x12b: {  	v2 =	vadd.f32 $1.000000000e+00, v2;
	v11 =	vld [tilespmem:s26+$0xFFFFFFE0];
	[tilespmem:s24+$0xFFFFFFE0] =	vst v1  }
0x12c: {  	v12 =	vld [tilespmem:s26+$0xFFFFFFF0];
	[tilespmem:s24+$0xFFFFFFF0] =	vst v0  }
0x12d: {  	v13 =	vld [tilespmem:s26+$0xFFFFFF90];
	[tilespmem:s24+$0xFFFFFF90] =	vst v2  }
0x12e: {  	v2 =	vld.idx.msk [tilespmem:v8+s17+$0x0], $0xffff  }
0x12f: {  	v8 =	vld.idx.msk [tilespmem:v6+s17+$0x0], $0xffff  }
0x130: {  	v5 =	vld.idx.msk [tilespmem:v7+s17+$0x0], $0xffff  }
.Ltmp10:
0x131: {  	v4 =	vld.idx.msk [tilespmem:v9+s17+$0x0], $0xffff;
	(pc) =	sbr.rel @p0 .LBB2_22-.Ltmp10, $4  }
0x132: {  	v3 =	vld.idx.msk [tilespmem:v10+s17+$0x0], $0xffff  }
0x133: {  	v1 =	vld.idx.msk [tilespmem:v11+s17+$0x0], $0xffff  }
0x134: {  	v6 =	vadd.f32 $1.000000000e+00, v2;
	v0 =	vld.idx.msk [tilespmem:v12+s17+$0x0], $0xffff  }
0x135: {  	s26 =	sadd.s32 $0x80, s26;
	s24 =	sadd.s32 $0x100, s24;
	v7 =	vadd.f32 $1.000000000e+00, v8;
	v2 =	vld.idx.msk [tilespmem:v13+s17+$0x0], $0xffff  }
0x136: {  	v5 =	vadd.f32 $1.000000000e+00, v5;
	[tilespmem:s24+$0x0] =	vst v6  }
0x137: {  	v4 =	vadd.f32 $1.000000000e+00, v4;
	[tilespmem:s24+$0xFFFFFFA0] =	vst v7  }
0x138: {  	v3 =	vadd.f32 $1.000000000e+00, v3;
	[tilespmem:s24+$0xFFFFFFB0] =	vst v5  }
0x139: {  	[tilespmem:s24+$0xFFFFFFC0] =	vst v4;
	v1 =	vadd.f32 $1.000000000e+00, v1  }
0x13a: {  	[tilespmem:s24+$0xFFFFFFD0] =	vst v3;
	v0 =	vadd.f32 $1.000000000e+00, v0  }
0x13b: {  	v2 =	vadd.f32 $1.000000000e+00, v2;
	[tilespmem:s24+$0xFFFFFFE0] =	vst v1  }
0x13c: {  	s25 =	simm.s32 $0x1C780;
	[tilespmem:s24+$0xFFFFFFF0] =	vst v0  }
0x13d: {  	s28 =	sadd.s32 $0x0, s11;
	s26 =	simm.s32 $0x1C880;
	[tilespmem:s24+$0xFFFFFF90] =	vst v2;
	s24 =	simm.s32 $0x80  }
.LBB2_24:
0x13e: {  	[hbm4b:s28+s3] =	stream.linear.scatter [tilespmem:s25], [sflag:$0x4], $0x80, $0x38;
	[tilespmem:$0x1E700] =	vst v63  }
0x13f: {  	s28 =	smov.u32 s24;
	s25 =	smov.u32 s26;
	p0 =	sne.s32 s24, $0xF80  }
.Ltmp11:
0x140: {  	s24 =	sadd.s32 $0x80, s24;
	(pc) =	sbr.rel @p0 .LBB2_24-.Ltmp11, $2  }
0x141: {  	_ =	sdelay $0x2  }
0x142: {  	s26 =	sadd.s32 $0x100, s26;
	s28 =	sadd.s32 s28, s11  }
0x143: {  	[hbm4b:s28+s3] =	stream.linear.scatter [tilespmem:s25], [sflag:$0x4], $0x80, $0x38;
	[tilespmem:$0x1E700] =	vst v63  }
0x144: {  	_ =	swait.ge [sflag:s20], $0x1000  }
0x145: {  	[sflag:s20] =	ssyncset.done $0x0  }
0x146: {  	s24 =	simm.s32 $0x2070;
	[sflag:s20] =	ssyncadd.s32 $0xFFFFF000  }
0x147: {  	v0 =	vld [tilespmem:s24+$0x0]  }
0x148: {  	v1 =	vld [tilespmem:s24+$0xFFFFFFA0]  }
0x149: {  	v2 =	vld [tilespmem:s24+$0xFFFFFFB0]  }
0x14a: {  	v3 =	vld [tilespmem:s24+$0xFFFFFFC0]  }
0x14b: {  	v6 =	vld [tilespmem:s24+$0xFFFFFFD0]  }
0x14c: {  	v7 =	vld [tilespmem:s24+$0xFFFFFFE0]  }
0x14d: {  	v8 =	vld [tilespmem:s24+$0xFFFFFFF0]  }
0x14e: {  	v9 =	vld [tilespmem:s24+$0xFFFFFF90]  }
0x14f: {  	v10 =	vld.idx.msk [tilespmem:v0+s17+$0x0], $0xffff  }
0x150: {  	v11 =	vld.idx.msk [tilespmem:v1+s17+$0x0], $0xffff  }
0x151: {  	v5 =	vld.idx.msk [tilespmem:v2+s17+$0x0], $0xffff  }
0x152: {  	v4 =	vld.idx.msk [tilespmem:v3+s17+$0x0], $0xffff  }
0x153: {  	v3 =	vld.idx.msk [tilespmem:v6+s17+$0x0], $0xffff  }
0x154: {  	v1 =	vld.idx.msk [tilespmem:v7+s17+$0x0], $0xffff  }
0x155: {  	v0 =	vld.idx.msk [tilespmem:v8+s17+$0x0], $0xffff;
	v6 =	vadd.f32 $1.000000000e+00, v10  }
0x156: {  	s25 =	simm.s32 $0x0;
	s26 =	simm.s32 $0x20F0;
	s24 =	simm.s32 $0x1C740;
	v2 =	vld.idx.msk [tilespmem:v9+s17+$0x0], $0xffff;
	v7 =	vadd.f32 $1.000000000e+00, v11  }
.LBB2_26:
0x157: {  	v8 =	vld [tilespmem:s26+$0x0];
	s25 =	sadd.s32 $0x8, s25;
	v5 =	vadd.f32 $1.000000000e+00, v5;
	[tilespmem:s24+$0x30] =	vst v6  }
0x158: {  	v4 =	vadd.f32 $1.000000000e+00, v4;
	v6 =	vld [tilespmem:s26+$0xFFFFFFA0];
	p0 =	slt.u32 s25, $0xF8;
	[tilespmem:s24+$0xFFFFFFD0] =	vst v7  }
0x159: {  	v3 =	vadd.f32 $1.000000000e+00, v3;
	v7 =	vld [tilespmem:s26+$0xFFFFFFB0];
	[tilespmem:s24+$0xFFFFFFE0] =	vst v5  }
0x15a: {  	v1 =	vadd.f32 $1.000000000e+00, v1;
	v9 =	vld [tilespmem:s26+$0xFFFFFFC0];
	[tilespmem:s24+$0xFFFFFFF0] =	vst v4  }
0x15b: {  	v0 =	vadd.f32 $1.000000000e+00, v0;
	v10 =	vld [tilespmem:s26+$0xFFFFFFD0];
	[tilespmem:s24+$0x0] =	vst v3  }
0x15c: {  	v2 =	vadd.f32 $1.000000000e+00, v2;
	v11 =	vld [tilespmem:s26+$0xFFFFFFE0];
	[tilespmem:s24+$0x10] =	vst v1  }
0x15d: {  	v12 =	vld [tilespmem:s26+$0xFFFFFFF0];
	[tilespmem:s24+$0x20] =	vst v0  }
0x15e: {  	v13 =	vld [tilespmem:s26+$0xFFFFFF90];
	[tilespmem:s24+$0xFFFFFFC0] =	vst v2  }
0x15f: {  	v2 =	vld.idx.msk [tilespmem:v8+s17+$0x0], $0xffff  }
0x160: {  	v8 =	vld.idx.msk [tilespmem:v6+s17+$0x0], $0xffff  }
0x161: {  	v5 =	vld.idx.msk [tilespmem:v7+s17+$0x0], $0xffff  }
.Ltmp12:
0x162: {  	v4 =	vld.idx.msk [tilespmem:v9+s17+$0x0], $0xffff;
	(pc) =	sbr.rel @p0 .LBB2_26-.Ltmp12, $4  }
0x163: {  	v3 =	vld.idx.msk [tilespmem:v10+s17+$0x0], $0xffff  }
0x164: {  	v1 =	vld.idx.msk [tilespmem:v11+s17+$0x0], $0xffff  }
0x165: {  	v6 =	vadd.f32 $1.000000000e+00, v2;
	v0 =	vld.idx.msk [tilespmem:v12+s17+$0x0], $0xffff  }
0x166: {  	s26 =	sadd.s32 $0x80, s26;
	s24 =	sadd.s32 $0x100, s24;
	v7 =	vadd.f32 $1.000000000e+00, v8;
	v2 =	vld.idx.msk [tilespmem:v13+s17+$0x0], $0xffff  }
0x167: {  	v5 =	vadd.f32 $1.000000000e+00, v5;
	[tilespmem:s24+$0x30] =	vst v6  }
0x168: {  	v4 =	vadd.f32 $1.000000000e+00, v4;
	[tilespmem:s24+$0xFFFFFFD0] =	vst v7  }
0x169: {  	v3 =	vadd.f32 $1.000000000e+00, v3;
	[tilespmem:s24+$0xFFFFFFE0] =	vst v5  }
0x16a: {  	[tilespmem:s24+$0xFFFFFFF0] =	vst v4;
	v1 =	vadd.f32 $1.000000000e+00, v1  }
0x16b: {  	[tilespmem:s24+$0x0] =	vst v3;
	v0 =	vadd.f32 $1.000000000e+00, v0  }
0x16c: {  	v2 =	vadd.f32 $1.000000000e+00, v2;
	[tilespmem:s24+$0x10] =	vst v1  }
0x16d: {  	s25 =	simm.s32 $0x1C700;
	[tilespmem:s24+$0x20] =	vst v0  }
0x16e: {  	s28 =	sadd.s32 $0x0, s12;
	s26 =	simm.s32 $0x1C800;
	[tilespmem:s24+$0xFFFFFFC0] =	vst v2;
	s24 =	simm.s32 $0x80  }
.LBB2_28:
0x16f: {  	[hbm4b:s28+s3] =	stream.linear.scatter [tilespmem:s25], [sflag:$0x3], $0x80, $0x38;
	[tilespmem:$0x1E700] =	vst v63  }
0x170: {  	s28 =	smov.u32 s24;
	s25 =	smov.u32 s26;
	p0 =	sne.s32 s24, $0xF80  }
.Ltmp13:
0x171: {  	s24 =	sadd.s32 $0x80, s24;
	(pc) =	sbr.rel @p0 .LBB2_28-.Ltmp13, $2  }
0x172: {  	_ =	sdelay $0x2  }
0x173: {  	s26 =	sadd.s32 $0x100, s26;
	s28 =	sadd.s32 s28, s12  }
0x174: {  	[hbm4b:s28+s3] =	stream.linear.scatter [tilespmem:s25], [sflag:$0x3], $0x80, $0x38;
	[tilespmem:$0x1E700] =	vst v63  }
0x175: {  	_ =	swait.ge [sflag:s21], $0x1000  }
0x176: {  	[sflag:s21] =	ssyncset.done $0x0  }
0x177: {  	s24 =	simm.s32 $0x3070;
	[sflag:s21] =	ssyncadd.s32 $0xFFFFF000  }
0x178: {  	v0 =	vld [tilespmem:s24+$0x0]  }
0x179: {  	v1 =	vld [tilespmem:s24+$0xFFFFFFA0]  }
0x17a: {  	v2 =	vld [tilespmem:s24+$0xFFFFFFB0]  }
0x17b: {  	v3 =	vld [tilespmem:s24+$0xFFFFFFC0]  }
0x17c: {  	v6 =	vld [tilespmem:s24+$0xFFFFFFD0]  }
0x17d: {  	v7 =	vld [tilespmem:s24+$0xFFFFFFE0]  }
0x17e: {  	v8 =	vld [tilespmem:s24+$0xFFFFFFF0]  }
0x17f: {  	v9 =	vld [tilespmem:s24+$0xFFFFFF90]  }
0x180: {  	v10 =	vld.idx.msk [tilespmem:v0+s17+$0x0], $0xffff  }
0x181: {  	v11 =	vld.idx.msk [tilespmem:v1+s17+$0x0], $0xffff  }
0x182: {  	v5 =	vld.idx.msk [tilespmem:v2+s17+$0x0], $0xffff  }
0x183: {  	v4 =	vld.idx.msk [tilespmem:v3+s17+$0x0], $0xffff  }
0x184: {  	v3 =	vld.idx.msk [tilespmem:v6+s17+$0x0], $0xffff  }
0x185: {  	v1 =	vld.idx.msk [tilespmem:v7+s17+$0x0], $0xffff  }
0x186: {  	v0 =	vld.idx.msk [tilespmem:v8+s17+$0x0], $0xffff;
	v6 =	vadd.f32 $1.000000000e+00, v10  }
0x187: {  	s25 =	simm.s32 $0x0;
	s26 =	simm.s32 $0x30F0;
	s24 =	simm.s32 $0x1C7F0;
	v2 =	vld.idx.msk [tilespmem:v9+s17+$0x0], $0xffff;
	v7 =	vadd.f32 $1.000000000e+00, v11  }
.LBB2_30:
0x188: {  	v8 =	vld [tilespmem:s26+$0x0];
	s25 =	sadd.s32 $0x8, s25;
	v5 =	vadd.f32 $1.000000000e+00, v5;
	[tilespmem:s24+$0x0] =	vst v6  }
0x189: {  	v4 =	vadd.f32 $1.000000000e+00, v4;
	v6 =	vld [tilespmem:s26+$0xFFFFFFA0];
	p0 =	slt.u32 s25, $0xF8;
	[tilespmem:s24+$0xFFFFFFA0] =	vst v7  }
0x18a: {  	v3 =	vadd.f32 $1.000000000e+00, v3;
	v7 =	vld [tilespmem:s26+$0xFFFFFFB0];
	[tilespmem:s24+$0xFFFFFFB0] =	vst v5  }
0x18b: {  	v1 =	vadd.f32 $1.000000000e+00, v1;
	v9 =	vld [tilespmem:s26+$0xFFFFFFC0];
	[tilespmem:s24+$0xFFFFFFC0] =	vst v4  }
0x18c: {  	v0 =	vadd.f32 $1.000000000e+00, v0;
	v10 =	vld [tilespmem:s26+$0xFFFFFFD0];
	[tilespmem:s24+$0xFFFFFFD0] =	vst v3  }
0x18d: {  	v2 =	vadd.f32 $1.000000000e+00, v2;
	v11 =	vld [tilespmem:s26+$0xFFFFFFE0];
	[tilespmem:s24+$0xFFFFFFE0] =	vst v1  }
0x18e: {  	v12 =	vld [tilespmem:s26+$0xFFFFFFF0];
	[tilespmem:s24+$0xFFFFFFF0] =	vst v0  }
0x18f: {  	v13 =	vld [tilespmem:s26+$0xFFFFFF90];
	[tilespmem:s24+$0xFFFFFF90] =	vst v2  }
0x190: {  	v2 =	vld.idx.msk [tilespmem:v8+s17+$0x0], $0xffff  }
0x191: {  	v8 =	vld.idx.msk [tilespmem:v6+s17+$0x0], $0xffff  }
0x192: {  	v5 =	vld.idx.msk [tilespmem:v7+s17+$0x0], $0xffff  }
.Ltmp14:
0x193: {  	v4 =	vld.idx.msk [tilespmem:v9+s17+$0x0], $0xffff;
	(pc) =	sbr.rel @p0 .LBB2_30-.Ltmp14, $4  }
0x194: {  	v3 =	vld.idx.msk [tilespmem:v10+s17+$0x0], $0xffff  }
0x195: {  	v1 =	vld.idx.msk [tilespmem:v11+s17+$0x0], $0xffff  }
0x196: {  	v6 =	vadd.f32 $1.000000000e+00, v2;
	v0 =	vld.idx.msk [tilespmem:v12+s17+$0x0], $0xffff  }
0x197: {  	s26 =	sadd.s32 $0x80, s26;
	s24 =	sadd.s32 $0x100, s24;
	v7 =	vadd.f32 $1.000000000e+00, v8;
	v2 =	vld.idx.msk [tilespmem:v13+s17+$0x0], $0xffff  }
0x198: {  	v5 =	vadd.f32 $1.000000000e+00, v5;
	[tilespmem:s24+$0x0] =	vst v6  }
0x199: {  	v4 =	vadd.f32 $1.000000000e+00, v4;
	[tilespmem:s24+$0xFFFFFFA0] =	vst v7  }
0x19a: {  	v3 =	vadd.f32 $1.000000000e+00, v3;
	[tilespmem:s24+$0xFFFFFFB0] =	vst v5  }
0x19b: {  	[tilespmem:s24+$0xFFFFFFC0] =	vst v4;
	v1 =	vadd.f32 $1.000000000e+00, v1  }
0x19c: {  	[tilespmem:s24+$0xFFFFFFD0] =	vst v3;
	v0 =	vadd.f32 $1.000000000e+00, v0  }
0x19d: {  	v2 =	vadd.f32 $1.000000000e+00, v2;
	[tilespmem:s24+$0xFFFFFFE0] =	vst v1  }
0x19e: {  	s25 =	simm.s32 $0x1C780;
	[tilespmem:s24+$0xFFFFFFF0] =	vst v0  }
0x19f: {  	s28 =	sadd.s32 $0x0, s13;
	s26 =	simm.s32 $0x1C880;
	[tilespmem:s24+$0xFFFFFF90] =	vst v2;
	s24 =	simm.s32 $0x80  }
.LBB2_32:
0x1a0: {  	[hbm4b:s28+s3] =	stream.linear.scatter [tilespmem:s25], [sflag:$0x4], $0x80, $0x38;
	[tilespmem:$0x1E700] =	vst v63  }
0x1a1: {  	s28 =	smov.u32 s24;
	s25 =	smov.u32 s26;
	p0 =	sne.s32 s24, $0xF80  }
.Ltmp15:
0x1a2: {  	s24 =	sadd.s32 $0x80, s24;
	(pc) =	sbr.rel @p0 .LBB2_32-.Ltmp15, $2  }
0x1a3: {  	_ =	sdelay $0x2  }
0x1a4: {  	s26 =	sadd.s32 $0x100, s26;
	s28 =	sadd.s32 s28, s13  }
0x1a5: {  	[hbm4b:s28+s3] =	stream.linear.scatter [tilespmem:s25], [sflag:$0x4], $0x80, $0x38;
	[tilespmem:$0x1E700] =	vst v63  }
0x1a6: {  	s23 =	sadd.s32 $0x1, s23  }
0x1a7: {  	_ =	swait.ge [sflag:s20], $0x1000;
	p0 =	sne.s32 s23, s14  }
.Ltmp16:
0x1a8: {  	[sflag:s20] =	ssyncset.done $0x0;
	(pc) =	sbr.rel @p0 .LBB2_1-.Ltmp16, $4  }
0x1a9: {  	[sflag:s20] =	ssyncadd.s32 $0xFFFFF000  }
0x1aa: {  	_ =	swait.ge [sflag:s21], $0x1000  }
0x1ab: {  	[sflag:s21] =	ssyncset.done $0x0  }
0x1ac: {  	[sflag:s21] =	ssyncadd.s32 $0xFFFFF000  }
0x1ad: {  	_ =	sfence.sel $0x180000  }
0x1ae: {  	[bflag:$0x0] =	sbarrier.arrive $0xFFFF  }
0x1af: {  	p0 =	sne.s32 s2, $0x0;
	_ =	strace $0x90000047  }
0x1b0: {  	s0 =	sadd.s32 @!p0 $0x100000, s0;
	[bflag:$0x2] =	sbarrier.arrive $0xFFFF  }
0x1b1: {  	[sflag:s0] =	ssyncadd.tile.s32 @!p0 $0x1;
	_ =	shalt  }
.Lfunc_end2:
_tile_overlayer_lowered:
.L_overlay_start_2:
0x1b2: {  	(tag) =	ssettag $0x2  }
0x1b3: {  	s0 =	rddreg [dreg:$0x0];
	s2 =	stileid.u32  }
0x1b4: {  	s1 =	rddreg [dreg:$0x1];
	p0 =	sne.s32 s2, $0x0  }
0x1b5: {  	s3 =	rddreg [dreg:$0x2];
	[bflag:$0x3] =	sbarrier.arrive $0xFFFF;
	s2 =	simm.s32 @!p0 $0x1C05  }
0x1b6: {  	[timem:s3], [sflag:s2] =	dma.local @!p0 [hbm:s0], s1  }
0x1b7: {  	s0 =	simm.s32 @!p0 $0x5  }
0x1b8: {  	_ =	swait.ge @!p0 [sflag:s0], s1  }
0x1b9: {  	s1 =	ssub.s32 @!p0 $0x0, s1;
	[sflag:s0] =	ssyncset.done @!p0 $0x0  }
0x1ba: {  	[sflag:s0] =	ssyncadd.s32 @!p0 s1  }
0x1bb: {  	[bflag:$0x3] =	sbarrier.arrive $0xFFFF  }
0x1bc: {  	_ =	shalt  }

</sc_bundles>
